<compile_context>
chip_gen: v7x
topology: tpu7x:2x2x1
jax: 0.10.2.dev20260603
libtpu: 0.0.44.dev20260713+nightly
codegen_flags: <defaults>
</compile_context>

<pallas_src>
import functools

import jax
import jax.numpy as jnp
from jax import lax
from jax.experimental import pallas as pl
from jax.experimental.pallas import tpu as pltpu
from jax.experimental.pallas import tpu_sc as plsc

_CH = 40
_NW = 32
_EV = 16


def _sc_body(B, D, E, clr_hbm, otu_hbm, w_hbm, b_hbm, out_hbm,
             tab_v, clr_v, w_v, b_v, out_buf, sems):
    nchunks = D // _CH
    wid = lax.axis_index("s") * 2 + lax.axis_index("c")

    pltpu.sync_copy(w_hbm, w_v)
    pltpu.sync_copy(b_hbm, b_v)
    w_regs = [w_v[pl.ds(ev * _EV, _EV)] for ev in range(E // _EV)]
    b_regs = [b_v[pl.ds(ev * _EV, _EV)] for ev in range(E // _EV)]

    nk = (nchunks - wid + _NW - 1) // _NW

    def chunk_body(k, _):
        ch = wid + k * _NW
        row0 = ch * _CH
        pltpu.sync_copy(otu_hbm.at[pl.ds(row0, _CH), :], tab_v)
        pltpu.sync_copy(clr_hbm.at[pl.ds(row0, _CH), :], clr_v)

        def fold_row(r, _):
            for ev in range(E // _EV):
                sl = pl.ds(ev * _EV, _EV)
                tab_v[r, sl] = tab_v[r, sl] + b_regs[ev]
            return 0

        lax.fori_loop(0, _CH, fold_row, 0)

        def batch_body(b, _):
            slot = lax.rem(b, 2)

            @pl.when(b >= 2)
            def _wait_prev():
                pltpu.make_async_copy(
                    out_buf.at[slot], out_hbm.at[0, pl.ds(0, _CH), :],
                    sems.at[slot]).wait()

            def row_body(r, _):
                bvec0 = clr_v[r, pl.ds(0, _EV)]
                bvec1 = clr_v[r, pl.ds(_EV, _EV)]
                idx = jnp.full((_EV, 1), lax.rem(b, _EV), jnp.int32)
                dn = lax.GatherDimensionNumbers(
                    offset_dims=(), collapsed_slice_dims=(0,),
                    start_index_map=(0,))
                g0 = lax.gather(bvec0, idx, dn, (1,),
                                mode=lax.GatherScatterMode.PROMISE_IN_BOUNDS)
                g1 = lax.gather(bvec1, idx, dn, (1,),
                                mode=lax.GatherScatterMode.PROMISE_IN_BOUNDS)
                csplat = jnp.where(b < _EV, g0, g1)
                for ev in range(E // _EV):
                    sl = pl.ds(ev * _EV, _EV)
                    out_buf[slot, r, sl] = tab_v[r, sl] + csplat * w_regs[ev]
                return 0

            lax.fori_loop(0, _CH, row_body, 0)
            pltpu.make_async_copy(
                out_buf.at[slot], out_hbm.at[b, pl.ds(row0, _CH), :],
                sems.at[slot]).start()
            return 0

        lax.fori_loop(0, B, batch_body, 0)
        for slot in range(2):
            pltpu.make_async_copy(
                out_buf.at[slot], out_hbm.at[0, pl.ds(0, _CH), :],
                sems.at[slot]).wait()
        return 0

    lax.fori_loop(0, nk, chunk_body, 0)


def kernel(clr, otu_table, W_val, b_val):
    B, D = clr.shape
    E = otu_table.shape[1]

    mesh = plsc.VectorSubcoreMesh(core_axis_name="c", subcore_axis_name="s")
    sc_kernel = functools.partial(
        pl.kernel,
        mesh=mesh,
        out_type=jax.ShapeDtypeStruct((B, D, E), jnp.float32),
        scratch_types=[
            pltpu.VMEM((_CH, E), jnp.float32),
            pltpu.VMEM((_CH, B), jnp.float32),
            pltpu.VMEM((E,), jnp.float32),
            pltpu.VMEM((E,), jnp.float32),
            pltpu.VMEM((2, _CH, E), jnp.float32),
            pltpu.SemaphoreType.DMA((2,)),
        ],
    )(functools.partial(_sc_body, B, D, E))
    return sc_kernel(clr.T, otu_table, W_val[:, 0].reshape(E), b_val)

# --- scband reference (transcript-rebuilt; emitter-appended) ---
"""Pipeline reference for scband-phylogenetic-otuembedding-85693187490540 (READ-ONLY COPY).

The authoritative reference and input builder live on the scoring server;
editing this copy changes nothing except your own understanding.
"""

import jax, jax.numpy as jnp
import numpy as np

N_OTUS = 5000
EMBED_DIM = 256
BATCH = 32


def _phylo_table():
    n, d = N_OTUS, EMBED_DIM
    pe = np.zeros((n, d), dtype=np.float32)
    pos = np.arange(n, dtype=np.float32)[:, None]
    div1 = np.exp(np.arange(0, 64, 2, dtype=np.float32) * -(np.log(10000.0) / 64))
    pe[:, 0:64:2] = np.sin(pos / n * np.pi * div1)
    pe[:, 1:64:2] = np.cos(pos / n * np.pi * div1)
    div2 = np.exp(np.arange(0, 64, 2, dtype=np.float32) * -(np.log(1000.0) / 64))
    pe[:, 64:128:2] = np.sin(pos / n * np.pi * 10.0 * div2)
    pe[:, 65:129:2] = np.cos(pos / n * np.pi * 10.0 * div2)
    div3 = np.exp(np.arange(0, 128, 2, dtype=np.float32) * -(np.log(100.0) / 128))
    pe[:, 128:256:2] = np.sin(pos / n * np.pi * 100.0 * div3)
    pe[:, 129:257:2] = np.cos(pos / n * np.pi * 100.0 * div3)
    return jnp.asarray(pe)


def setup_inputs(seed: int = 0) -> dict:
    key = jax.random.key(seed)
    k1, k2, k3 = jax.random.split(key, 3)
    clr = jax.random.normal(k1, (BATCH, N_OTUS), dtype=jnp.float32)
    otu_table = _phylo_table()
    # nn.Linear(1, embed_dim): weight [embed_dim, 1], bias [embed_dim]
    W_val = jax.random.uniform(k2, (EMBED_DIM, 1), dtype=jnp.float32, minval=-1.0, maxval=1.0)
    b_val = jax.random.uniform(k3, (EMBED_DIM,), dtype=jnp.float32, minval=-1.0, maxval=1.0)
    return {"clr": clr, "otu_table": otu_table, "W_val": W_val, "b_val": b_val}


def reference(clr, otu_table, W_val, b_val):
    # pos_ids = arange(D); pos_emb = embedding(pos_ids)  -> contiguous gather
    D = clr.shape[1]
    pos_ids = jnp.arange(D)
    pos_emb = jnp.take(otu_table, pos_ids, axis=0)  # [D, E]
    # value_proj: Linear(1, E) applied to clr.unsqueeze(-1)
    val_emb = clr[..., None] * W_val[:, 0][None, None, :] + b_val[None, None, :]  # [B, D, E]
    return pos_emb[None, :, :] + val_emb

if __name__ == "__main__":
    import jax
    _d = setup_inputs()
    print(jax.jit(kernel)(*tuple(_d.values())))

</pallas_src>

<mosaic_0001>
#map = affine_map<(d0, d1) -> (0, 0)>
#map1 = affine_map<(d0, d1) -> (0)>
#map2 = affine_map<(d0, d1) -> (0, 0, 0)>
module attributes {stable_mosaic.version = 14 : i64} {
  func.func @_sc_body(%arg0: i32, %arg1: i32, %arg2: memref<5000x32xf32, #tpu.memory_space<hbm>>, %arg3: memref<5000x256xf32, #tpu.memory_space<hbm>>, %arg4: memref<256xf32, #tpu.memory_space<hbm>>, %arg5: memref<256xf32, #tpu.memory_space<hbm>>, %arg6: memref<32x5000x256xf32, #tpu.memory_space<hbm>>, %arg7: memref<40x256xf32, #tpu.memory_space<vmem>>, %arg8: memref<40x32xf32, #tpu.memory_space<vmem>>, %arg9: memref<256xf32, #tpu.memory_space<vmem>>, %arg10: memref<256xf32, #tpu.memory_space<vmem>>, %arg11: memref<2x40x256xf32, #tpu.memory_space<vmem>>, %arg12: memref<2x!tpu.dma_semaphore, #tpu.memory_space<semaphore_mem>>) attributes {dimension_semantics = [#tpu.dimension_semantics<core_parallel>, #tpu.dimension_semantics<subcore_parallel>], iteration_bounds = array<i64: 2, 16>, scalar_prefetch = 0 : i64, scratch_operands = 6 : i64, tpu.core_type = #tpu.core_type<sc_vector_subcore>, window_params = [{transform_indices = #map}, {transform_indices = #map}, {transform_indices = #map1}, {transform_indices = #map1}, {transform_indices = #map2}]} {
    %mul3A = arith.constant 2 : i32
    %mul3A_0 = arith.muli %arg1, %mul3A : i32
    %add3A = arith.addi %mul3A_0, %arg0 : i32
    "tpu.region"() ({
      %run_scoped3A = tpu.sem_alloc : memref<!tpu.dma_semaphore, #tpu.memory_space<semaphore_mem>>
      tpu.enqueue_dma source(%arg4 : memref<256xf32, #tpu.memory_space<hbm>>) target(%arg9 : memref<256xf32, #tpu.memory_space<vmem>>) target_semaphore(%run_scoped3A : memref<!tpu.dma_semaphore, #tpu.memory_space<semaphore_mem>>)
      tpu.wait_dma2 semaphore(%run_scoped3A : memref<!tpu.dma_semaphore, #tpu.memory_space<semaphore_mem>>) src(%arg4 : memref<256xf32, #tpu.memory_space<hbm>>) dst(%arg9 : memref<256xf32, #tpu.memory_space<vmem>>)
      tpu.yield
    }) : () -> ()
    "tpu.region"() ({
      %run_scoped3A = tpu.sem_alloc : memref<!tpu.dma_semaphore, #tpu.memory_space<semaphore_mem>>
      tpu.enqueue_dma source(%arg5 : memref<256xf32, #tpu.memory_space<hbm>>) target(%arg10 : memref<256xf32, #tpu.memory_space<vmem>>) target_semaphore(%run_scoped3A : memref<!tpu.dma_semaphore, #tpu.memory_space<semaphore_mem>>)
      tpu.wait_dma2 semaphore(%run_scoped3A : memref<!tpu.dma_semaphore, #tpu.memory_space<semaphore_mem>>) src(%arg5 : memref<256xf32, #tpu.memory_space<hbm>>) dst(%arg10 : memref<256xf32, #tpu.memory_space<vmem>>)
      tpu.yield
    }) : () -> ()
    %get3A = arith.constant 0 : index
    %get3A_1 = tpu.vector_load %arg9[%get3A] {strides = array<i32>} : memref<256xf32, #tpu.memory_space<vmem>>, vector<16xf32>,
    %get3A_2 = vector.shape_cast %get3A_1 : vector<16xf32> to vector<16xf32>
    %get3A_3 = arith.constant 16 : index
    %get3A_4 = tpu.vector_load %arg9[%get3A_3] {strides = array<i32>} : memref<256xf32, #tpu.memory_space<vmem>>, vector<16xf32>,
    %get3A_5 = vector.shape_cast %get3A_4 : vector<16xf32> to vector<16xf32>
    %get3A_6 = arith.constant 32 : index
    %get3A_7 = tpu.vector_load %arg9[%get3A_6] {strides = array<i32>} : memref<256xf32, #tpu.memory_space<vmem>>, vector<16xf32>,
    %get3A_8 = vector.shape_cast %get3A_7 : vector<16xf32> to vector<16xf32>
    %get3A_9 = arith.constant 48 : index
    %get3A_10 = tpu.vector_load %arg9[%get3A_9] {strides = array<i32>} : memref<256xf32, #tpu.memory_space<vmem>>, vector<16xf32>,
    %get3A_11 = vector.shape_cast %get3A_10 : vector<16xf32> to vector<16xf32>
    %get3A_12 = arith.constant 64 : index
    %get3A_13 = tpu.vector_load %arg9[%get3A_12] {strides = array<i32>} : memref<256xf32, #tpu.memory_space<vmem>>, vector<16xf32>,
    %get3A_14 = vector.shape_cast %get3A_13 : vector<16xf32> to vector<16xf32>
    %get3A_15 = arith.constant 80 : index
    %get3A_16 = tpu.vector_load %arg9[%get3A_15] {strides = array<i32>} : memref<256xf32, #tpu.memory_space<vmem>>, vector<16xf32>,
    %get3A_17 = vector.shape_cast %get3A_16 : vector<16xf32> to vector<16xf32>
    %get3A_18 = arith.constant 96 : index
    %get3A_19 = tpu.vector_load %arg9[%get3A_18] {strides = array<i32>} : memref<256xf32, #tpu.memory_space<vmem>>, vector<16xf32>,
    %get3A_20 = vector.shape_cast %get3A_19 : vector<16xf32> to vector<16xf32>
    %get3A_21 = arith.constant 112 : index
    %get3A_22 = tpu.vector_load %arg9[%get3A_21] {strides = array<i32>} : memref<256xf32, #tpu.memory_space<vmem>>, vector<16xf32>,
    %get3A_23 = vector.shape_cast %get3A_22 : vector<16xf32> to vector<16xf32>
    %get3A_24 = arith.constant 128 : index
    %get3A_25 = tpu.vector_load %arg9[%get3A_24] {strides = array<i32>} : memref<256xf32, #tpu.memory_space<vmem>>, vector<16xf32>,
    %get3A_26 = vector.shape_cast %get3A_25 : vector<16xf32> to vector<16xf32>
    %get3A_27 = arith.constant 144 : index
    %get3A_28 = tpu.vector_load %arg9[%get3A_27] {strides = array<i32>} : memref<256xf32, #tpu.memory_space<vmem>>, vector<16xf32>,
    %get3A_29 = vector.shape_cast %get3A_28 : vector<16xf32> to vector<16xf32>
    %get3A_30 = arith.constant 160 : index
    %get3A_31 = tpu.vector_load %arg9[%get3A_30] {strides = array<i32>} : memref<256xf32, #tpu.memory_space<vmem>>, vector<16xf32>,
    %get3A_32 = vector.shape_cast %get3A_31 : vector<16xf32> to vector<16xf32>
    %get3A_33 = arith.constant 176 : index
    %get3A_34 = tpu.vector_load %arg9[%get3A_33] {strides = array<i32>} : memref<256xf32, #tpu.memory_space<vmem>>, vector<16xf32>,
    %get3A_35 = vector.shape_cast %get3A_34 : vector<16xf32> to vector<16xf32>
    %get3A_36 = arith.constant 192 : index
    %get3A_37 = tpu.vector_load %arg9[%get3A_36] {strides = array<i32>} : memref<256xf32, #tpu.memory_space<vmem>>, vector<16xf32>,
    %get3A_38 = vector.shape_cast %get3A_37 : vector<16xf32> to vector<16xf32>
    %get3A_39 = arith.constant 208 : index
    %get3A_40 = tpu.vector_load %arg9[%get3A_39] {strides = array<i32>} : memref<256xf32, #tpu.memory_space<vmem>>, vector<16xf32>,
    %get3A_41 = vector.shape_cast %get3A_40 : vector<16xf32> to vector<16xf32>
    %get3A_42 = arith.constant 224 : index
    %get3A_43 = tpu.vector_load %arg9[%get3A_42] {strides = array<i32>} : memref<256xf32, #tpu.memory_space<vmem>>, vector<16xf32>,
    %get3A_44 = vector.shape_cast %get3A_43 : vector<16xf32> to vector<16xf32>
    %get3A_45 = arith.constant 240 : index
    %get3A_46 = tpu.vector_load %arg9[%get3A_45] {strides = array<i32>} : memref<256xf32, #tpu.memory_space<vmem>>, vector<16xf32>,
    %get3A_47 = vector.shape_cast %get3A_46 : vector<16xf32> to vector<16xf32>
    %get3A_48 = arith.constant 0 : index
    %get3A_49 = tpu.vector_load %arg10[%get3A_48] {strides = array<i32>} : memref<256xf32, #tpu.memory_space<vmem>>, vector<16xf32>,
    %get3A_50 = vector.shape_cast %get3A_49 : vector<16xf32> to vector<16xf32>
    %get3A_51 = arith.constant 16 : index
    %get3A_52 = tpu.vector_load %arg10[%get3A_51] {strides = array<i32>} : memref<256xf32, #tpu.memory_space<vmem>>, vector<16xf32>,
    %get3A_53 = vector.shape_cast %get3A_52 : vector<16xf32> to vector<16xf32>
    %get3A_54 = arith.constant 32 : index
    %get3A_55 = tpu.vector_load %arg10[%get3A_54] {strides = array<i32>} : memref<256xf32, #tpu.memory_space<vmem>>, vector<16xf32>,
    %get3A_56 = vector.shape_cast %get3A_55 : vector<16xf32> to vector<16xf32>
    %get3A_57 = arith.constant 48 : index
    %get3A_58 = tpu.vector_load %arg10[%get3A_57] {strides = array<i32>} : memref<256xf32, #tpu.memory_space<vmem>>, vector<16xf32>,
    %get3A_59 = vector.shape_cast %get3A_58 : vector<16xf32> to vector<16xf32>
    %get3A_60 = arith.constant 64 : index
    %get3A_61 = tpu.vector_load %arg10[%get3A_60] {strides = array<i32>} : memref<256xf32, #tpu.memory_space<vmem>>, vector<16xf32>,
    %get3A_62 = vector.shape_cast %get3A_61 : vector<16xf32> to vector<16xf32>
    %get3A_63 = arith.constant 80 : index
    %get3A_64 = tpu.vector_load %arg10[%get3A_63] {strides = array<i32>} : memref<256xf32, #tpu.memory_space<vmem>>, vector<16xf32>,
    %get3A_65 = vector.shape_cast %get3A_64 : vector<16xf32> to vector<16xf32>
    %get3A_66 = arith.constant 96 : index
    %get3A_67 = tpu.vector_load %arg10[%get3A_66] {strides = array<i32>} : memref<256xf32, #tpu.memory_space<vmem>>, vector<16xf32>,
    %get3A_68 = vector.shape_cast %get3A_67 : vector<16xf32> to vector<16xf32>
    %get3A_69 = arith.constant 112 : index
    %get3A_70 = tpu.vector_load %arg10[%get3A_69] {strides = array<i32>} : memref<256xf32, #tpu.memory_space<vmem>>, vector<16xf32>,
    %get3A_71 = vector.shape_cast %get3A_70 : vector<16xf32> to vector<16xf32>
    %get3A_72 = arith.constant 128 : index
    %get3A_73 = tpu.vector_load %arg10[%get3A_72] {strides = array<i32>} : memref<256xf32, #tpu.memory_space<vmem>>, vector<16xf32>,
    %get3A_74 = vector.shape_cast %get3A_73 : vector<16xf32> to vector<16xf32>
    %get3A_75 = arith.constant 144 : index
    %get3A_76 = tpu.vector_load %arg10[%get3A_75] {strides = array<i32>} : memref<256xf32, #tpu.memory_space<vmem>>, vector<16xf32>,
    %get3A_77 = vector.shape_cast %get3A_76 : vector<16xf32> to vector<16xf32>
    %get3A_78 = arith.constant 160 : index
    %get3A_79 = tpu.vector_load %arg10[%get3A_78] {strides = array<i32>} : memref<256xf32, #tpu.memory_space<vmem>>, vector<16xf32>,
    %get3A_80 = vector.shape_cast %get3A_79 : vector<16xf32> to vector<16xf32>
    %get3A_81 = arith.constant 176 : index
    %get3A_82 = tpu.vector_load %arg10[%get3A_81] {strides = array<i32>} : memref<256xf32, #tpu.memory_space<vmem>>, vector<16xf32>,
    %get3A_83 = vector.shape_cast %get3A_82 : vector<16xf32> to vector<16xf32>
    %get3A_84 = arith.constant 192 : index
    %get3A_85 = tpu.vector_load %arg10[%get3A_84] {strides = array<i32>} : memref<256xf32, #tpu.memory_space<vmem>>, vector<16xf32>,
    %get3A_86 = vector.shape_cast %get3A_85 : vector<16xf32> to vector<16xf32>
    %get3A_87 = arith.constant 208 : index
    %get3A_88 = tpu.vector_load %arg10[%get3A_87] {strides = array<i32>} : memref<256xf32, #tpu.memory_space<vmem>>, vector<16xf32>,
    %get3A_89 = vector.shape_cast %get3A_88 : vector<16xf32> to vector<16xf32>
    %get3A_90 = arith.constant 224 : index
    %get3A_91 = tpu.vector_load %arg10[%get3A_90] {strides = array<i32>} : memref<256xf32, #tpu.memory_space<vmem>>, vector<16xf32>,
    %get3A_92 = vector.shape_cast %get3A_91 : vector<16xf32> to vector<16xf32>
    %get3A_93 = arith.constant 240 : index
    %get3A_94 = tpu.vector_load %arg10[%get3A_93] {strides = array<i32>} : memref<256xf32, #tpu.memory_space<vmem>>, vector<16xf32>,
    %get3A_95 = vector.shape_cast %get3A_94 : vector<16xf32> to vector<16xf32>
    %sub3A = arith.constant 125 : i32
    %sub3A_96 = arith.subi %sub3A, %add3A : i32
    %add3A_97 = arith.constant 32 : i32
    %add3A_98 = arith.addi %sub3A_96, %add3A_97 : i32
    %sub3A_99 = arith.constant 1 : i32
    %sub3A_100 = arith.subi %add3A_98, %sub3A_99 : i32
    %jit3A = arith.constant 32 : i32
    %div3A = arith.divsi %sub3A_100, %jit3A : i32
    %sign3A = arith.constant 0 : i32
    %sign3A_101 = arith.cmpi sgt, %sub3A_100, %sign3A : i32
    %sign3A_102 = arith.extui %sign3A_101 : i1 to i32
    %sign3A_103 = arith.constant 0 : i32
    %sign3A_104 = arith.cmpi slt, %sub3A_100, %sign3A_103 : i32
    %sign3A_105 = arith.extui %sign3A_104 : i1 to i32
    %sign3A_106 = arith.subi %sign3A_102, %sign3A_105 : i32
    %sign3A_107 = arith.constant 0 : i32
    %sign3A_108 = arith.cmpi sgt, %jit3A, %sign3A_107 : i32
    %sign3A_109 = arith.extui %sign3A_108 : i1 to i32
    %sign3A_110 = arith.constant 0 : i32
    %sign3A_111 = arith.cmpi slt, %jit3A, %sign3A_110 : i32
    %sign3A_112 = arith.extui %sign3A_111 : i1 to i32
    %sign3A_113 = arith.subi %sign3A_109, %sign3A_112 : i32
    %ne3A = arith.cmpi ne, %sign3A_106, %sign3A_113 : i32
    %rem3A = arith.remsi %sub3A_100, %jit3A : i32
    %ne3A_114 = arith.constant 0 : i32
    %ne3A_115 = arith.cmpi ne, %rem3A, %ne3A_114 : i32
    %and3A = arith.andi %ne3A, %ne3A_115 : i1
    %sub3A_116 = arith.constant 1 : i32
    %sub3A_117 = arith.subi %div3A, %sub3A_116 : i32
    %select_n3A = arith.select %and3A, %sub3A_117, %div3A : i32
    %while3A = arith.constant 0 : i32
    %while3A_118 = arith.constant 0 : i32
    %while3A_119 = arith.subi %select_n3A, %while3A : i32
    %while3A_120 = arith.addi %while3A, %while3A_119 : i32
    %while3A_121 = arith.constant 1 : i32
    %while3A_122 = arith.divsi %while3A_119, %while3A_121 : i32
    %while3A_123 = arith.muli %while3A_122, %while3A_121 : i32
    %while3A_124 = arith.addi %while3A, %while3A_123 : i32
    %while3A_125 = arith.constant 1 : i32
    %while3A_126 = scf.for %while3A_129 = %while3A to %while3A_124 step %while3A_125 iter_args(%while3A_130 = %while3A_118) -> (i32)  : i32 {
      %mul3A_131 = arith.constant 32 : i32
      %mul3A_132 = arith.muli %while3A_129, %mul3A_131 : i32
      %add3A_133 = arith.addi %add3A, %mul3A_132 : i32
      %mul3A_134 = arith.constant 40 : i32
      %mul3A_135 = arith.muli %add3A_133, %mul3A_134 : i32
      "tpu.region"() ({
        %run_scoped3A = tpu.sem_alloc : memref<!tpu.dma_semaphore, #tpu.memory_space<semaphore_mem>>
        %dma_start3A = arith.constant 0 : i32
        %dma_start3A_191 = tpu.memref_slice %arg3[%mul3A_135, %dma_start3A] : memref<5000x256xf32, #tpu.memory_space<hbm>> -> memref<40x256xf32, #tpu.memory_space<hbm>>
        %dma_start3A_192 = arith.constant 0 : i32
        %dma_start3A_193 = tpu.memref_slice %arg3[%mul3A_135, %dma_start3A_192] : memref<5000x256xf32, #tpu.memory_space<hbm>> -> memref<40x256xf32, #tpu.memory_space<hbm>>
        tpu.enqueue_dma source(%dma_start3A_193 : memref<40x256xf32, #tpu.memory_space<hbm>>) target(%arg7 : memref<40x256xf32, #tpu.memory_space<vmem>>) target_semaphore(%run_scoped3A : memref<!tpu.dma_semaphore, #tpu.memory_space<semaphore_mem>>)
        %dma_wait3A_194 = arith.constant 0 : i32
        %dma_wait3A_195 = tpu.memref_slice %arg3[%mul3A_135, %dma_wait3A_194] : memref<5000x256xf32, #tpu.memory_space<hbm>> -> memref<40x256xf32, #tpu.memory_space<hbm>>
        %dma_wait3A_196 = arith.constant 0 : i32
        %dma_wait3A_197 = tpu.memref_slice %arg3[%mul3A_135, %dma_wait3A_196] : memref<5000x256xf32, #tpu.memory_space<hbm>> -> memref<40x256xf32, #tpu.memory_space<hbm>>
        tpu.wait_dma2 semaphore(%run_scoped3A : memref<!tpu.dma_semaphore, #tpu.memory_space<semaphore_mem>>) src(%dma_wait3A_197 : memref<40x256xf32, #tpu.memory_space<hbm>>) dst(%arg7 : memref<40x256xf32, #tpu.memory_space<vmem>>)
        tpu.yield
      }) : () -> ()
      "tpu.region"() ({
        %run_scoped3A = tpu.sem_alloc : memref<!tpu.dma_semaphore, #tpu.memory_space<semaphore_mem>>
        %dma_start3A = arith.constant 0 : i32
        %dma_start3A_191 = tpu.memref_slice %arg2[%mul3A_135, %dma_start3A] : memref<5000x32xf32, #tpu.memory_space<hbm>> -> memref<40x32xf32, #tpu.memory_space<hbm>>
        %dma_start3A_192 = arith.constant 0 : i32
        %dma_start3A_193 = tpu.memref_slice %arg2[%mul3A_135, %dma_start3A_192] : memref<5000x32xf32, #tpu.memory_space<hbm>> -> memref<40x32xf32, #tpu.memory_space<hbm>>
        tpu.enqueue_dma source(%dma_start3A_193 : memref<40x32xf32, #tpu.memory_space<hbm>>) target(%arg8 : memref<40x32xf32, #tpu.memory_space<vmem>>) target_semaphore(%run_scoped3A : memref<!tpu.dma_semaphore, #tpu.memory_space<semaphore_mem>>)
        %dma_wait3A_194 = arith.constant 0 : i32
        %dma_wait3A_195 = tpu.memref_slice %arg2[%mul3A_135, %dma_wait3A_194] : memref<5000x32xf32, #tpu.memory_space<hbm>> -> memref<40x32xf32, #tpu.memory_space<hbm>>
        %dma_wait3A_196 = arith.constant 0 : i32
        %dma_wait3A_197 = tpu.memref_slice %arg2[%mul3A_135, %dma_wait3A_196] : memref<5000x32xf32, #tpu.memory_space<hbm>> -> memref<40x32xf32, #tpu.memory_space<hbm>>
        tpu.wait_dma2 semaphore(%run_scoped3A : memref<!tpu.dma_semaphore, #tpu.memory_space<semaphore_mem>>) src(%dma_wait3A_197 : memref<40x32xf32, #tpu.memory_space<hbm>>) dst(%arg8 : memref<40x32xf32, #tpu.memory_space<vmem>>)
        tpu.yield
      }) : () -> ()
      %scan3A = arith.constant 0 : i32
      %scan3A_136 = arith.constant 0 : i32
      %scan3A_137 = arith.constant 40 : i32
      %scan3A_138 = arith.addi %scan3A_136, %scan3A_137 : i32
      %scan3A_139 = arith.constant 1 : i32
      %scan3A_140 = scf.for %scan3A_191 = %scan3A_136 to %scan3A_138 step %scan3A_139 iter_args(%scan3A_192 = %scan3A) -> (i32)  : i32 {
        %get3A_193 = arith.index_cast %scan3A_191 : i32 to index
        %get3A_194 = arith.constant 0 : index
        %get3A_195 = tpu.vector_load %arg7[%get3A_193, %get3A_194] {strides = array<i32>} : memref<40x256xf32, #tpu.memory_space<vmem>>, vector<1x16xf32>,
        %get3A_196 = vector.shape_cast %get3A_195 : vector<1x16xf32> to vector<16xf32>
        %add3A_197 = arith.addf %get3A_196, %get3A_50 : vector<16xf32>
        %swap3A = arith.index_cast %scan3A_191 : i32 to index
        %swap3A_198 = arith.constant 0 : index
        %swap3A_199 = tpu.vector_load %arg7[%swap3A, %swap3A_198] {strides = array<i32>} : memref<40x256xf32, #tpu.memory_space<vmem>>, vector<1x16xf32>,
        %swap3A_200 = vector.shape_cast %swap3A_199 : vector<1x16xf32> to vector<16xf32>
        %swap3A_201 = vector.shape_cast %add3A_197 : vector<16xf32> to vector<1x16xf32>
        tpu.vector_store %arg7[%swap3A, %swap3A_198], %swap3A_201 {strides = array<i32>} : memref<40x256xf32, #tpu.memory_space<vmem>>, vector<1x16xf32>,
        %get3A_202 = arith.index_cast %scan3A_191 : i32 to index
        %get3A_203 = arith.constant 16 : index
        %get3A_204 = tpu.vector_load %arg7[%get3A_202, %get3A_203] {strides = array<i32>} : memref<40x256xf32, #tpu.memory_space<vmem>>, vector<1x16xf32>,
        %get3A_205 = vector.shape_cast %get3A_204 : vector<1x16xf32> to vector<16xf32>
        %add3A_206 = arith.addf %get3A_205, %get3A_53 : vector<16xf32>
        %swap3A_207 = arith.index_cast %scan3A_191 : i32 to index
        %swap3A_208 = arith.constant 16 : index
        %swap3A_209 = tpu.vector_load %arg7[%swap3A_207, %swap3A_208] {strides = array<i32>} : memref<40x256xf32, #tpu.memory_space<vmem>>, vector<1x16xf32>,
        %swap3A_210 = vector.shape_cast %swap3A_209 : vector<1x16xf32> to vector<16xf32>
        %swap3A_211 = vector.shape_cast %add3A_206 : vector<16xf32> to vector<1x16xf32>
        tpu.vector_store %arg7[%swap3A_207, %swap3A_208], %swap3A_211 {strides = array<i32>} : memref<40x256xf32, #tpu.memory_space<vmem>>, vector<1x16xf32>,
        %get3A_212 = arith.index_cast %scan3A_191 : i32 to index
        %get3A_213 = arith.constant 32 : index
        %get3A_214 = tpu.vector_load %arg7[%get3A_212, %get3A_213] {strides = array<i32>} : memref<40x256xf32, #tpu.memory_space<vmem>>, vector<1x16xf32>,
        %get3A_215 = vector.shape_cast %get3A_214 : vector<1x16xf32> to vector<16xf32>
        %add3A_216 = arith.addf %get3A_215, %get3A_56 : vector<16xf32>
        %swap3A_217 = arith.index_cast %scan3A_191 : i32 to index
        %swap3A_218 = arith.constant 32 : index
        %swap3A_219 = tpu.vector_load %arg7[%swap3A_217, %swap3A_218] {strides = array<i32>} : memref<40x256xf32, #tpu.memory_space<vmem>>, vector<1x16xf32>,
        %swap3A_220 = vector.shape_cast %swap3A_219 : vector<1x16xf32> to vector<16xf32>
        %swap3A_221 = vector.shape_cast %add3A_216 : vector<16xf32> to vector<1x16xf32>
        tpu.vector_store %arg7[%swap3A_217, %swap3A_218], %swap3A_221 {strides = array<i32>} : memref<40x256xf32, #tpu.memory_space<vmem>>, vector<1x16xf32>,
        %get3A_222 = arith.index_cast %scan3A_191 : i32 to index
        %get3A_223 = arith.constant 48 : index
        %get3A_224 = tpu.vector_load %arg7[%get3A_222, %get3A_223] {strides = array<i32>} : memref<40x256xf32, #tpu.memory_space<vmem>>, vector<1x16xf32>,
        %get3A_225 = vector.shape_cast %get3A_224 : vector<1x16xf32> to vector<16xf32>
        %add3A_226 = arith.addf %get3A_225, %get3A_59 : vector<16xf32>
        %swap3A_227 = arith.index_cast %scan3A_191 : i32 to index
        %swap3A_228 = arith.constant 48 : index
        %swap3A_229 = tpu.vector_load %arg7[%swap3A_227, %swap3A_228] {strides = array<i32>} : memref<40x256xf32, #tpu.memory_space<vmem>>, vector<1x16xf32>,
        %swap3A_230 = vector.shape_cast %swap3A_229 : vector<1x16xf32> to vector<16xf32>
        %swap3A_231 = vector.shape_cast %add3A_226 : vector<16xf32> to vector<1x16xf32>
        tpu.vector_store %arg7[%swap3A_227, %swap3A_228], %swap3A_231 {strides = array<i32>} : memref<40x256xf32, #tpu.memory_space<vmem>>, vector<1x16xf32>,
        %get3A_232 = arith.index_cast %scan3A_191 : i32 to index
        %get3A_233 = arith.constant 64 : index
        %get3A_234 = tpu.vector_load %arg7[%get3A_232, %get3A_233] {strides = array<i32>} : memref<40x256xf32, #tpu.memory_space<vmem>>, vector<1x16xf32>,
        %get3A_235 = vector.shape_cast %get3A_234 : vector<1x16xf32> to vector<16xf32>
        %add3A_236 = arith.addf %get3A_235, %get3A_62 : vector<16xf32>
        %swap3A_237 = arith.index_cast %scan3A_191 : i32 to index
        %swap3A_238 = arith.constant 64 : index
        %swap3A_239 = tpu.vector_load %arg7[%swap3A_237, %swap3A_238] {strides = array<i32>} : memref<40x256xf32, #tpu.memory_space<vmem>>, vector<1x16xf32>,
        %swap3A_240 = vector.shape_cast %swap3A_239 : vector<1x16xf32> to vector<16xf32>
        %swap3A_241 = vector.shape_cast %add3A_236 : vector<16xf32> to vector<1x16xf32>
        tpu.vector_store %arg7[%swap3A_237, %swap3A_238], %swap3A_241 {strides = array<i32>} : memref<40x256xf32, #tpu.memory_space<vmem>>, vector<1x16xf32>,
        %get3A_242 = arith.index_cast %scan3A_191 : i32 to index
        %get3A_243 = arith.constant 80 : index
        %get3A_244 = tpu.vector_load %arg7[%get3A_242, %get3A_243] {strides = array<i32>} : memref<40x256xf32, #tpu.memory_space<vmem>>, vector<1x16xf32>,
        %get3A_245 = vector.shape_cast %get3A_244 : vector<1x16xf32> to vector<16xf32>
        %add3A_246 = arith.addf %get3A_245, %get3A_65 : vector<16xf32>
        %swap3A_247 = arith.index_cast %scan3A_191 : i32 to index
        %swap3A_248 = arith.constant 80 : index
        %swap3A_249 = tpu.vector_load %arg7[%swap3A_247, %swap3A_248] {strides = array<i32>} : memref<40x256xf32, #tpu.memory_space<vmem>>, vector<1x16xf32>,
        %swap3A_250 = vector.shape_cast %swap3A_249 : vector<1x16xf32> to vector<16xf32>
        %swap3A_251 = vector.shape_cast %add3A_246 : vector<16xf32> to vector<1x16xf32>
        tpu.vector_store %arg7[%swap3A_247, %swap3A_248], %swap3A_251 {strides = array<i32>} : memref<40x256xf32, #tpu.memory_space<vmem>>, vector<1x16xf32>,
        %get3A_252 = arith.index_cast %scan3A_191 : i32 to index
        %get3A_253 = arith.constant 96 : index
        %get3A_254 = tpu.vector_load %arg7[%get3A_252, %get3A_253] {strides = array<i32>} : memref<40x256xf32, #tpu.memory_space<vmem>>, vector<1x16xf32>,
        %get3A_255 = vector.shape_cast %get3A_254 : vector<1x16xf32> to vector<16xf32>
        %add3A_256 = arith.addf %get3A_255, %get3A_68 : vector<16xf32>
        %swap3A_257 = arith.index_cast %scan3A_191 : i32 to index
        %swap3A_258 = arith.constant 96 : index
        %swap3A_259 = tpu.vector_load %arg7[%swap3A_257, %swap3A_258] {strides = array<i32>} : memref<40x256xf32, #tpu.memory_space<vmem>>, vector<1x16xf32>,
        %swap3A_260 = vector.shape_cast %swap3A_259 : vector<1x16xf32> to vector<16xf32>
        %swap3A_261 = vector.shape_cast %add3A_256 : vector<16xf32> to vector<1x16xf32>
        tpu.vector_store %arg7[%swap3A_257, %swap3A_258], %swap3A_261 {strides = array<i32>} : memref<40x256xf32, #tpu.memory_space<vmem>>, vector<1x16xf32>,
        %get3A_262 = arith.index_cast %scan3A_191 : i32 to index
        %get3A_263 = arith.constant 112 : index
        %get3A_264 = tpu.vector_load %arg7[%get3A_262, %get3A_263] {strides = array<i32>} : memref<40x256xf32, #tpu.memory_space<vmem>>, vector<1x16xf32>,
        %get3A_265 = vector.shape_cast %get3A_264 : vector<1x16xf32> to vector<16xf32>
        %add3A_266 = arith.addf %get3A_265, %get3A_71 : vector<16xf32>
        %swap3A_267 = arith.index_cast %scan3A_191 : i32 to index
        %swap3A_268 = arith.constant 112 : index
        %swap3A_269 = tpu.vector_load %arg7[%swap3A_267, %swap3A_268] {strides = array<i32>} : memref<40x256xf32, #tpu.memory_space<vmem>>, vector<1x16xf32>,
        %swap3A_270 = vector.shape_cast %swap3A_269 : vector<1x16xf32> to vector<16xf32>
        %swap3A_271 = vector.shape_cast %add3A_266 : vector<16xf32> to vector<1x16xf32>
        tpu.vector_store %arg7[%swap3A_267, %swap3A_268], %swap3A_271 {strides = array<i32>} : memref<40x256xf32, #tpu.memory_space<vmem>>, vector<1x16xf32>,
        %get3A_272 = arith.index_cast %scan3A_191 : i32 to index
        %get3A_273 = arith.constant 128 : index
        %get3A_274 = tpu.vector_load %arg7[%get3A_272, %get3A_273] {strides = array<i32>} : memref<40x256xf32, #tpu.memory_space<vmem>>, vector<1x16xf32>,
        %get3A_275 = vector.shape_cast %get3A_274 : vector<1x16xf32> to vector<16xf32>
        %add3A_276 = arith.addf %get3A_275, %get3A_74 : vector<16xf32>
        %swap3A_277 = arith.index_cast %scan3A_191 : i32 to index
        %swap3A_278 = arith.constant 128 : index
        %swap3A_279 = tpu.vector_load %arg7[%swap3A_277, %swap3A_278] {strides = array<i32>} : memref<40x256xf32, #tpu.memory_space<vmem>>, vector<1x16xf32>,
        %swap3A_280 = vector.shape_cast %swap3A_279 : vector<1x16xf32> to vector<16xf32>
        %swap3A_281 = vector.shape_cast %add3A_276 : vector<16xf32> to vector<1x16xf32>
        tpu.vector_store %arg7[%swap3A_277, %swap3A_278], %swap3A_281 {strides = array<i32>} : memref<40x256xf32, #tpu.memory_space<vmem>>, vector<1x16xf32>,
        %get3A_282 = arith.index_cast %scan3A_191 : i32 to index
        %get3A_283 = arith.constant 144 : index
        %get3A_284 = tpu.vector_load %arg7[%get3A_282, %get3A_283] {strides = array<i32>} : memref<40x256xf32, #tpu.memory_space<vmem>>, vector<1x16xf32>,
        %get3A_285 = vector.shape_cast %get3A_284 : vector<1x16xf32> to vector<16xf32>
        %add3A_286 = arith.addf %get3A_285, %get3A_77 : vector<16xf32>
        %swap3A_287 = arith.index_cast %scan3A_191 : i32 to index
        %swap3A_288 = arith.constant 144 : index
        %swap3A_289 = tpu.vector_load %arg7[%swap3A_287, %swap3A_288] {strides = array<i32>} : memref<40x256xf32, #tpu.memory_space<vmem>>, vector<1x16xf32>,
        %swap3A_290 = vector.shape_cast %swap3A_289 : vector<1x16xf32> to vector<16xf32>
        %swap3A_291 = vector.shape_cast %add3A_286 : vector<16xf32> to vector<1x16xf32>
        tpu.vector_store %arg7[%swap3A_287, %swap3A_288], %swap3A_291 {strides = array<i32>} : memref<40x256xf32, #tpu.memory_space<vmem>>, vector<1x16xf32>,
        %get3A_292 = arith.index_cast %scan3A_191 : i32 to index
        %get3A_293 = arith.constant 160 : index
        %get3A_294 = tpu.vector_load %arg7[%get3A_292, %get3A_293] {strides = array<i32>} : memref<40x256xf32, #tpu.memory_space<vmem>>, vector<1x16xf32>,
        %get3A_295 = vector.shape_cast %get3A_294 : vector<1x16xf32> to vector<16xf32>
        %add3A_296 = arith.addf %get3A_295, %get3A_80 : vector<16xf32>
        %swap3A_297 = arith.index_cast %scan3A_191 : i32 to index
        %swap3A_298 = arith.constant 160 : index
        %swap3A_299 = tpu.vector_load %arg7[%swap3A_297, %swap3A_298] {strides = array<i32>} : memref<40x256xf32, #tpu.memory_space<vmem>>, vector<1x16xf32>,
        %swap3A_300 = vector.shape_cast %swap3A_299 : vector<1x16xf32> to vector<16xf32>
        %swap3A_301 = vector.shape_cast %add3A_296 : vector<16xf32> to vector<1x16xf32>
        tpu.vector_store %arg7[%swap3A_297, %swap3A_298], %swap3A_301 {strides = array<i32>} : memref<40x256xf32, #tpu.memory_space<vmem>>, vector<1x16xf32>,
        %get3A_302 = arith.index_cast %scan3A_191 : i32 to index
        %get3A_303 = arith.constant 176 : index
        %get3A_304 = tpu.vector_load %arg7[%get3A_302, %get3A_303] {strides = array<i32>} : memref<40x256xf32, #tpu.memory_space<vmem>>, vector<1x16xf32>,
        %get3A_305 = vector.shape_cast %get3A_304 : vector<1x16xf32> to vector<16xf32>
        %add3A_306 = arith.addf %get3A_305, %get3A_83 : vector<16xf32>
        %swap3A_307 = arith.index_cast %scan3A_191 : i32 to index
        %swap3A_308 = arith.constant 176 : index
        %swap3A_309 = tpu.vector_load %arg7[%swap3A_307, %swap3A_308] {strides = array<i32>} : memref<40x256xf32, #tpu.memory_space<vmem>>, vector<1x16xf32>,
        %swap3A_310 = vector.shape_cast %swap3A_309 : vector<1x16xf32> to vector<16xf32>
        %swap3A_311 = vector.shape_cast %add3A_306 : vector<16xf32> to vector<1x16xf32>
        tpu.vector_store %arg7[%swap3A_307, %swap3A_308], %swap3A_311 {strides = array<i32>} : memref<40x256xf32, #tpu.memory_space<vmem>>, vector<1x16xf32>,
        %get3A_312 = arith.index_cast %scan3A_191 : i32 to index
        %get3A_313 = arith.constant 192 : index
        %get3A_314 = tpu.vector_load %arg7[%get3A_312, %get3A_313] {strides = array<i32>} : memref<40x256xf32, #tpu.memory_space<vmem>>, vector<1x16xf32>,
        %get3A_315 = vector.shape_cast %get3A_314 : vector<1x16xf32> to vector<16xf32>
        %add3A_316 = arith.addf %get3A_315, %get3A_86 : vector<16xf32>
        %swap3A_317 = arith.index_cast %scan3A_191 : i32 to index
        %swap3A_318 = arith.constant 192 : index
        %swap3A_319 = tpu.vector_load %arg7[%swap3A_317, %swap3A_318] {strides = array<i32>} : memref<40x256xf32, #tpu.memory_space<vmem>>, vector<1x16xf32>,
        %swap3A_320 = vector.shape_cast %swap3A_319 : vector<1x16xf32> to vector<16xf32>
        %swap3A_321 = vector.shape_cast %add3A_316 : vector<16xf32> to vector<1x16xf32>
        tpu.vector_store %arg7[%swap3A_317, %swap3A_318], %swap3A_321 {strides = array<i32>} : memref<40x256xf32, #tpu.memory_space<vmem>>, vector<1x16xf32>,
        %get3A_322 = arith.index_cast %scan3A_191 : i32 to index
        %get3A_323 = arith.constant 208 : index
        %get3A_324 = tpu.vector_load %arg7[%get3A_322, %get3A_323] {strides = array<i32>} : memref<40x256xf32, #tpu.memory_space<vmem>>, vector<1x16xf32>,
        %get3A_325 = vector.shape_cast %get3A_324 : vector<1x16xf32> to vector<16xf32>
        %add3A_326 = arith.addf %get3A_325, %get3A_89 : vector<16xf32>
        %swap3A_327 = arith.index_cast %scan3A_191 : i32 to index
        %swap3A_328 = arith.constant 208 : index
        %swap3A_329 = tpu.vector_load %arg7[%swap3A_327, %swap3A_328] {strides = array<i32>} : memref<40x256xf32, #tpu.memory_space<vmem>>, vector<1x16xf32>,
        %swap3A_330 = vector.shape_cast %swap3A_329 : vector<1x16xf32> to vector<16xf32>
        %swap3A_331 = vector.shape_cast %add3A_326 : vector<16xf32> to vector<1x16xf32>
        tpu.vector_store %arg7[%swap3A_327, %swap3A_328], %swap3A_331 {strides = array<i32>} : memref<40x256xf32, #tpu.memory_space<vmem>>, vector<1x16xf32>,
        %get3A_332 = arith.index_cast %scan3A_191 : i32 to index
        %get3A_333 = arith.constant 224 : index
        %get3A_334 = tpu.vector_load %arg7[%get3A_332, %get3A_333] {strides = array<i32>} : memref<40x256xf32, #tpu.memory_space<vmem>>, vector<1x16xf32>,
        %get3A_335 = vector.shape_cast %get3A_334 : vector<1x16xf32> to vector<16xf32>
        %add3A_336 = arith.addf %get3A_335, %get3A_92 : vector<16xf32>
        %swap3A_337 = arith.index_cast %scan3A_191 : i32 to index
        %swap3A_338 = arith.constant 224 : index
        %swap3A_339 = tpu.vector_load %arg7[%swap3A_337, %swap3A_338] {strides = array<i32>} : memref<40x256xf32, #tpu.memory_space<vmem>>, vector<1x16xf32>,
        %swap3A_340 = vector.shape_cast %swap3A_339 : vector<1x16xf32> to vector<16xf32>
        %swap3A_341 = vector.shape_cast %add3A_336 : vector<16xf32> to vector<1x16xf32>
        tpu.vector_store %arg7[%swap3A_337, %swap3A_338], %swap3A_341 {strides = array<i32>} : memref<40x256xf32, #tpu.memory_space<vmem>>, vector<1x16xf32>,
        %get3A_342 = arith.index_cast %scan3A_191 : i32 to index
        %get3A_343 = arith.constant 240 : index
        %get3A_344 = tpu.vector_load %arg7[%get3A_342, %get3A_343] {strides = array<i32>} : memref<40x256xf32, #tpu.memory_space<vmem>>, vector<1x16xf32>,
        %get3A_345 = vector.shape_cast %get3A_344 : vector<1x16xf32> to vector<16xf32>
        %add3A_346 = arith.addf %get3A_345, %get3A_95 : vector<16xf32>
        %swap3A_347 = arith.index_cast %scan3A_191 : i32 to index
        %swap3A_348 = arith.constant 240 : index
        %swap3A_349 = tpu.vector_load %arg7[%swap3A_347, %swap3A_348] {strides = array<i32>} : memref<40x256xf32, #tpu.memory_space<vmem>>, vector<1x16xf32>,
        %swap3A_350 = vector.shape_cast %swap3A_349 : vector<1x16xf32> to vector<16xf32>
        %swap3A_351 = vector.shape_cast %add3A_346 : vector<16xf32> to vector<1x16xf32>
        tpu.vector_store %arg7[%swap3A_347, %swap3A_348], %swap3A_351 {strides = array<i32>} : memref<40x256xf32, #tpu.memory_space<vmem>>, vector<1x16xf32>,
        %scan3A_352 = arith.constant 0 : i32
        scf.yield %scan3A_352 : i32
      }
      %scan3A_141 = arith.constant 40 : i32
      %scan3A_142 = arith.constant 0 : i32
      %scan3A_143 = arith.constant 0 : i32
      %scan3A_144 = arith.constant 32 : i32
      %scan3A_145 = arith.addi %scan3A_143, %scan3A_144 : i32
      %scan3A_146 = arith.constant 1 : i32
      %scan3A_147 = scf.for %scan3A_191 = %scan3A_143 to %scan3A_145 step %scan3A_146 iter_args(%scan3A_192 = %scan3A_142) -> (i32)  : i32 {
        %rem3A_193 = arith.constant 2 : i32
        %rem3A_194 = arith.remsi %scan3A_191, %rem3A_193 : i32
        %ge3A = arith.constant 2 : i32
        %ge3A_195 = arith.cmpi sge, %scan3A_191, %ge3A : i32
        %convert_element_type3A = arith.extui %ge3A_195 : i1 to i32
        %cond3A = arith.constant 0 : i32
        %cond3A_196 = arith.cmpi ne, %convert_element_type3A, %cond3A : i32
        scf.if %cond3A_196 {
          %dma_wait3A_220 = arith.constant 0 : i32
          %dma_wait3A_221 = arith.constant 0 : i32
          %dma_wait3A_222 = arith.constant 0 : i32
          %dma_wait3A_223 = tpu.memref_slice %arg11[%rem3A_194, %dma_wait3A_221, %dma_wait3A_222] : memref<2x40x256xf32, #tpu.memory_space<vmem>> -> memref<1x40x256xf32, #tpu.memory_space<vmem>>
          %dma_wait3A_224 = tpu.memref_squeeze %dma_wait3A_223 : memref<1x40x256xf32, #tpu.memory_space<vmem>> -> memref<40x256xf32, #tpu.memory_space<vmem>>
          %dma_wait3A_225 = arith.constant 0 : i32
          %dma_wait3A_226 = arith.constant 0 : i32
          %dma_wait3A_227 = tpu.memref_slice %arg6[%dma_wait3A_220, %dma_wait3A_225, %dma_wait3A_226] : memref<32x5000x256xf32, #tpu.memory_space<hbm>> -> memref<1x40x256xf32, #tpu.memory_space<hbm>>
          %dma_wait3A_228 = tpu.memref_squeeze %dma_wait3A_227 : memref<1x40x256xf32, #tpu.memory_space<hbm>> -> memref<40x256xf32, #tpu.memory_space<hbm>>
          %dma_wait3A_229 = tpu.memref_slice %arg12[%rem3A_194] : memref<2x!tpu.dma_semaphore, #tpu.memory_space<semaphore_mem>> -> memref<1x!tpu.dma_semaphore, #tpu.memory_space<semaphore_mem>>
          %dma_wait3A_230 = tpu.memref_squeeze %dma_wait3A_229 : memref<1x!tpu.dma_semaphore, #tpu.memory_space<semaphore_mem>> -> memref<!tpu.dma_semaphore, #tpu.memory_space<semaphore_mem>>
          %dma_wait3A_231 = arith.constant 0 : i32
          %dma_wait3A_232 = arith.constant 0 : i32
          %dma_wait3A_233 = tpu.memref_slice %arg6[%dma_wait3A_220, %dma_wait3A_231, %dma_wait3A_232] : memref<32x5000x256xf32, #tpu.memory_space<hbm>> -> memref<1x40x256xf32, #tpu.memory_space<hbm>>
          %dma_wait3A_234 = tpu.memref_squeeze %dma_wait3A_233 : memref<1x40x256xf32, #tpu.memory_space<hbm>> -> memref<40x256xf32, #tpu.memory_space<hbm>>
          %dma_wait3A_235 = arith.constant 0 : i32
          %dma_wait3A_236 = arith.constant 0 : i32
          %dma_wait3A_237 = tpu.memref_slice %arg11[%rem3A_194, %dma_wait3A_235, %dma_wait3A_236] : memref<2x40x256xf32, #tpu.memory_space<vmem>> -> memref<1x40x256xf32, #tpu.memory_space<vmem>>
          %dma_wait3A_238 = tpu.memref_squeeze %dma_wait3A_237 : memref<1x40x256xf32, #tpu.memory_space<vmem>> -> memref<40x256xf32, #tpu.memory_space<vmem>>
          tpu.wait_dma2 semaphore(%dma_wait3A_230 : memref<!tpu.dma_semaphore, #tpu.memory_space<semaphore_mem>>) src(%dma_wait3A_238 : memref<40x256xf32, #tpu.memory_space<vmem>>) dst(%dma_wait3A_234 : memref<40x256xf32, #tpu.memory_space<hbm>>)
        } else {
        }
        %scan3A_197 = arith.constant 0 : i32
        %scan3A_198 = arith.constant 0 : i32
        %scan3A_199 = arith.constant 40 : i32
        %scan3A_200 = arith.addi %scan3A_198, %scan3A_199 : i32
        %scan3A_201 = arith.constant 1 : i32
        %scan3A_202 = scf.for %scan3A_220 = %scan3A_198 to %scan3A_200 step %scan3A_201 iter_args(%scan3A_221 = %scan3A_197) -> (i32)  : i32 {
          %get3A_222 = arith.index_cast %scan3A_220 : i32 to index
          %get3A_223 = arith.constant 0 : index
          %get3A_224 = tpu.vector_load %arg8[%get3A_222, %get3A_223] {strides = array<i32>} : memref<40x32xf32, #tpu.memory_space<vmem>>, vector<1x16xf32>,
          %get3A_225 = vector.shape_cast %get3A_224 : vector<1x16xf32> to vector<16xf32>
          %get3A_226 = arith.index_cast %scan3A_220 : i32 to index
          %get3A_227 = arith.constant 16 : index
          %get3A_228 = tpu.vector_load %arg8[%get3A_226, %get3A_227] {strides = array<i32>} : memref<40x32xf32, #tpu.memory_space<vmem>>, vector<1x16xf32>,
          %get3A_229 = vector.shape_cast %get3A_228 : vector<1x16xf32> to vector<16xf32>
          %rem3A_230 = arith.constant 16 : i32
          %rem3A_231 = arith.remsi %scan3A_191, %rem3A_230 : i32
          %broadcast_in_dim3A = vector.broadcast %rem3A_231 : i32 to vector<16x1xi32>
          %gather3A = vector.shape_cast %broadcast_in_dim3A : vector<16x1xi32> to vector<16xi32>
          %gather3A_232 = tpu.dynamic_gather %get3A_225[%gather3A] in [0] : vector<16xf32>, vector<16xi32> -> vector<16xf32>
          %gather3A_233 = vector.shape_cast %broadcast_in_dim3A : vector<16x1xi32> to vector<16xi32>
          %gather3A_234 = tpu.dynamic_gather %get3A_229[%gather3A_233] in [0] : vector<16xf32>, vector<16xi32> -> vector<16xf32>
          %lt3A = arith.constant 16 : i32
          %lt3A_235 = arith.cmpi slt, %scan3A_191, %lt3A : i32
          %select_n3A_236 = arith.select %lt3A_235, %gather3A_232, %gather3A_234 : vector<16xf32>
          %get3A_237 = arith.index_cast %scan3A_220 : i32 to index
          %get3A_238 = arith.constant 0 : index
          %get3A_239 = tpu.vector_load %arg7[%get3A_237, %get3A_238] {strides = array<i32>} : memref<40x256xf32, #tpu.memory_space<vmem>>, vector<1x16xf32>,
          %get3A_240 = vector.shape_cast %get3A_239 : vector<1x16xf32> to vector<16xf32>
          %mul3A_241 = arith.mulf %select_n3A_236, %get3A_2 : vector<16xf32>
          %add3A_242 = arith.addf %get3A_240, %mul3A_241 : vector<16xf32>
          %swap3A = arith.index_cast %rem3A_194 : i32 to index
          %swap3A_243 = arith.index_cast %scan3A_220 : i32 to index
          %swap3A_244 = arith.constant 0 : index
          %swap3A_245 = tpu.vector_load %arg11[%swap3A, %swap3A_243, %swap3A_244] {strides = array<i32>} : memref<2x40x256xf32, #tpu.memory_space<vmem>>, vector<1x1x16xf32>,
          %swap3A_246 = vector.shape_cast %swap3A_245 : vector<1x1x16xf32> to vector<16xf32>
          %swap3A_247 = vector.shape_cast %add3A_242 : vector<16xf32> to vector<1x1x16xf32>
          tpu.vector_store %arg11[%swap3A, %swap3A_243, %swap3A_244], %swap3A_247 {strides = array<i32>} : memref<2x40x256xf32, #tpu.memory_space<vmem>>, vector<1x1x16xf32>,
          %get3A_248 = arith.index_cast %scan3A_220 : i32 to index
          %get3A_249 = arith.constant 16 : index
          %get3A_250 = tpu.vector_load %arg7[%get3A_248, %get3A_249] {strides = array<i32>} : memref<40x256xf32, #tpu.memory_space<vmem>>, vector<1x16xf32>,
          %get3A_251 = vector.shape_cast %get3A_250 : vector<1x16xf32> to vector<16xf32>
          %mul3A_252 = arith.mulf %select_n3A_236, %get3A_5 : vector<16xf32>
          %add3A_253 = arith.addf %get3A_251, %mul3A_252 : vector<16xf32>
          %swap3A_254 = arith.index_cast %rem3A_194 : i32 to index
          %swap3A_255 = arith.index_cast %scan3A_220 : i32 to index
          %swap3A_256 = arith.constant 16 : index
          %swap3A_257 = tpu.vector_load %arg11[%swap3A_254, %swap3A_255, %swap3A_256] {strides = array<i32>} : memref<2x40x256xf32, #tpu.memory_space<vmem>>, vector<1x1x16xf32>,
          %swap3A_258 = vector.shape_cast %swap3A_257 : vector<1x1x16xf32> to vector<16xf32>
          %swap3A_259 = vector.shape_cast %add3A_253 : vector<16xf32> to vector<1x1x16xf32>
          tpu.vector_store %arg11[%swap3A_254, %swap3A_255, %swap3A_256], %swap3A_259 {strides = array<i32>} : memref<2x40x256xf32, #tpu.memory_space<vmem>>, vector<1x1x16xf32>,
          %get3A_260 = arith.index_cast %scan3A_220 : i32 to index
          %get3A_261 = arith.constant 32 : index
          %get3A_262 = tpu.vector_load %arg7[%get3A_260, %get3A_261] {strides = array<i32>} : memref<40x256xf32, #tpu.memory_space<vmem>>, vector<1x16xf32>,
          %get3A_263 = vector.shape_cast %get3A_262 : vector<1x16xf32> to vector<16xf32>
          %mul3A_264 = arith.mulf %select_n3A_236, %get3A_8 : vector<16xf32>
          %add3A_265 = arith.addf %get3A_263, %mul3A_264 : vector<16xf32>
          %swap3A_266 = arith.index_cast %rem3A_194 : i32 to index
          %swap3A_267 = arith.index_cast %scan3A_220 : i32 to index
          %swap3A_268 = arith.constant 32 : index
          %swap3A_269 = tpu.vector_load %arg11[%swap3A_266, %swap3A_267, %swap3A_268] {strides = array<i32>} : memref<2x40x256xf32, #tpu.memory_space<vmem>>, vector<1x1x16xf32>,
          %swap3A_270 = vector.shape_cast %swap3A_269 : vector<1x1x16xf32> to vector<16xf32>
          %swap3A_271 = vector.shape_cast %add3A_265 : vector<16xf32> to vector<1x1x16xf32>
          tpu.vector_store %arg11[%swap3A_266, %swap3A_267, %swap3A_268], %swap3A_271 {strides = array<i32>} : memref<2x40x256xf32, #tpu.memory_space<vmem>>, vector<1x1x16xf32>,
          %get3A_272 = arith.index_cast %scan3A_220 : i32 to index
          %get3A_273 = arith.constant 48 : index
          %get3A_274 = tpu.vector_load %arg7[%get3A_272, %get3A_273] {strides = array<i32>} : memref<40x256xf32, #tpu.memory_space<vmem>>, vector<1x16xf32>,
          %get3A_275 = vector.shape_cast %get3A_274 : vector<1x16xf32> to vector<16xf32>
          %mul3A_276 = arith.mulf %select_n3A_236, %get3A_11 : vector<16xf32>
          %add3A_277 = arith.addf %get3A_275, %mul3A_276 : vector<16xf32>
          %swap3A_278 = arith.index_cast %rem3A_194 : i32 to index
          %swap3A_279 = arith.index_cast %scan3A_220 : i32 to index
          %swap3A_280 = arith.constant 48 : index
          %swap3A_281 = tpu.vector_load %arg11[%swap3A_278, %swap3A_279, %swap3A_280] {strides = array<i32>} : memref<2x40x256xf32, #tpu.memory_space<vmem>>, vector<1x1x16xf32>,
          %swap3A_282 = vector.shape_cast %swap3A_281 : vector<1x1x16xf32> to vector<16xf32>
          %swap3A_283 = vector.shape_cast %add3A_277 : vector<16xf32> to vector<1x1x16xf32>
          tpu.vector_store %arg11[%swap3A_278, %swap3A_279, %swap3A_280], %swap3A_283 {strides = array<i32>} : memref<2x40x256xf32, #tpu.memory_space<vmem>>, vector<1x1x16xf32>,
          %get3A_284 = arith.index_cast %scan3A_220 : i32 to index
          %get3A_285 = arith.constant 64 : index
          %get3A_286 = tpu.vector_load %arg7[%get3A_284, %get3A_285] {strides = array<i32>} : memref<40x256xf32, #tpu.memory_space<vmem>>, vector<1x16xf32>,
          %get3A_287 = vector.shape_cast %get3A_286 : vector<1x16xf32> to vector<16xf32>
          %mul3A_288 = arith.mulf %select_n3A_236, %get3A_14 : vector<16xf32>
          %add3A_289 = arith.addf %get3A_287, %mul3A_288 : vector<16xf32>
          %swap3A_290 = arith.index_cast %rem3A_194 : i32 to index
          %swap3A_291 = arith.index_cast %scan3A_220 : i32 to index
          %swap3A_292 = arith.constant 64 : index
          %swap3A_293 = tpu.vector_load %arg11[%swap3A_290, %swap3A_291, %swap3A_292] {strides = array<i32>} : memref<2x40x256xf32, #tpu.memory_space<vmem>>, vector<1x1x16xf32>,
          %swap3A_294 = vector.shape_cast %swap3A_293 : vector<1x1x16xf32> to vector<16xf32>
          %swap3A_295 = vector.shape_cast %add3A_289 : vector<16xf32> to vector<1x1x16xf32>
          tpu.vector_store %arg11[%swap3A_290, %swap3A_291, %swap3A_292], %swap3A_295 {strides = array<i32>} : memref<2x40x256xf32, #tpu.memory_space<vmem>>, vector<1x1x16xf32>,
          %get3A_296 = arith.index_cast %scan3A_220 : i32 to index
          %get3A_297 = arith.constant 80 : index
          %get3A_298 = tpu.vector_load %arg7[%get3A_296, %get3A_297] {strides = array<i32>} : memref<40x256xf32, #tpu.memory_space<vmem>>, vector<1x16xf32>,
          %get3A_299 = vector.shape_cast %get3A_298 : vector<1x16xf32> to vector<16xf32>
          %mul3A_300 = arith.mulf %select_n3A_236, %get3A_17 : vector<16xf32>
          %add3A_301 = arith.addf %get3A_299, %mul3A_300 : vector<16xf32>
          %swap3A_302 = arith.index_cast %rem3A_194 : i32 to index
          %swap3A_303 = arith.index_cast %scan3A_220 : i32 to index
          %swap3A_304 = arith.constant 80 : index
          %swap3A_305 = tpu.vector_load %arg11[%swap3A_302, %swap3A_303, %swap3A_304] {strides = array<i32>} : memref<2x40x256xf32, #tpu.memory_space<vmem>>, vector<1x1x16xf32>,
          %swap3A_306 = vector.shape_cast %swap3A_305 : vector<1x1x16xf32> to vector<16xf32>
          %swap3A_307 = vector.shape_cast %add3A_301 : vector<16xf32> to vector<1x1x16xf32>
          tpu.vector_store %arg11[%swap3A_302, %swap3A_303, %swap3A_304], %swap3A_307 {strides = array<i32>} : memref<2x40x256xf32, #tpu.memory_space<vmem>>, vector<1x1x16xf32>,
          %get3A_308 = arith.index_cast %scan3A_220 : i32 to index
          %get3A_309 = arith.constant 96 : index
          %get3A_310 = tpu.vector_load %arg7[%get3A_308, %get3A_309] {strides = array<i32>} : memref<40x256xf32, #tpu.memory_space<vmem>>, vector<1x16xf32>,
          %get3A_311 = vector.shape_cast %get3A_310 : vector<1x16xf32> to vector<16xf32>
          %mul3A_312 = arith.mulf %select_n3A_236, %get3A_20 : vector<16xf32>
          %add3A_313 = arith.addf %get3A_311, %mul3A_312 : vector<16xf32>
          %swap3A_314 = arith.index_cast %rem3A_194 : i32 to index
          %swap3A_315 = arith.index_cast %scan3A_220 : i32 to index
          %swap3A_316 = arith.constant 96 : index
          %swap3A_317 = tpu.vector_load %arg11[%swap3A_314, %swap3A_315, %swap3A_316] {strides = array<i32>} : memref<2x40x256xf32, #tpu.memory_space<vmem>>, vector<1x1x16xf32>,
          %swap3A_318 = vector.shape_cast %swap3A_317 : vector<1x1x16xf32> to vector<16xf32>
          %swap3A_319 = vector.shape_cast %add3A_313 : vector<16xf32> to vector<1x1x16xf32>
          tpu.vector_store %arg11[%swap3A_314, %swap3A_315, %swap3A_316], %swap3A_319 {strides = array<i32>} : memref<2x40x256xf32, #tpu.memory_space<vmem>>, vector<1x1x16xf32>,
          %get3A_320 = arith.index_cast %scan3A_220 : i32 to index
          %get3A_321 = arith.constant 112 : index
          %get3A_322 = tpu.vector_load %arg7[%get3A_320, %get3A_321] {strides = array<i32>} : memref<40x256xf32, #tpu.memory_space<vmem>>, vector<1x16xf32>,
          %get3A_323 = vector.shape_cast %get3A_322 : vector<1x16xf32> to vector<16xf32>
          %mul3A_324 = arith.mulf %select_n3A_236, %get3A_23 : vector<16xf32>
          %add3A_325 = arith.addf %get3A_323, %mul3A_324 : vector<16xf32>
          %swap3A_326 = arith.index_cast %rem3A_194 : i32 to index
          %swap3A_327 = arith.index_cast %scan3A_220 : i32 to index
          %swap3A_328 = arith.constant 112 : index
          %swap3A_329 = tpu.vector_load %arg11[%swap3A_326, %swap3A_327, %swap3A_328] {strides = array<i32>} : memref<2x40x256xf32, #tpu.memory_space<vmem>>, vector<1x1x16xf32>,
          %swap3A_330 = vector.shape_cast %swap3A_329 : vector<1x1x16xf32> to vector<16xf32>
          %swap3A_331 = vector.shape_cast %add3A_325 : vector<16xf32> to vector<1x1x16xf32>
          tpu.vector_store %arg11[%swap3A_326, %swap3A_327, %swap3A_328], %swap3A_331 {strides = array<i32>} : memref<2x40x256xf32, #tpu.memory_space<vmem>>, vector<1x1x16xf32>,
          %get3A_332 = arith.index_cast %scan3A_220 : i32 to index
          %get3A_333 = arith.constant 128 : index
          %get3A_334 = tpu.vector_load %arg7[%get3A_332, %get3A_333] {strides = array<i32>} : memref<40x256xf32, #tpu.memory_space<vmem>>, vector<1x16xf32>,
          %get3A_335 = vector.shape_cast %get3A_334 : vector<1x16xf32> to vector<16xf32>
          %mul3A_336 = arith.mulf %select_n3A_236, %get3A_26 : vector<16xf32>
          %add3A_337 = arith.addf %get3A_335, %mul3A_336 : vector<16xf32>
          %swap3A_338 = arith.index_cast %rem3A_194 : i32 to index
          %swap3A_339 = arith.index_cast %scan3A_220 : i32 to index
          %swap3A_340 = arith.constant 128 : index
          %swap3A_341 = tpu.vector_load %arg11[%swap3A_338, %swap3A_339, %swap3A_340] {strides = array<i32>} : memref<2x40x256xf32, #tpu.memory_space<vmem>>, vector<1x1x16xf32>,
          %swap3A_342 = vector.shape_cast %swap3A_341 : vector<1x1x16xf32> to vector<16xf32>
          %swap3A_343 = vector.shape_cast %add3A_337 : vector<16xf32> to vector<1x1x16xf32>
          tpu.vector_store %arg11[%swap3A_338, %swap3A_339, %swap3A_340], %swap3A_343 {strides = array<i32>} : memref<2x40x256xf32, #tpu.memory_space<vmem>>, vector<1x1x16xf32>,
          %get3A_344 = arith.index_cast %scan3A_220 : i32 to index
          %get3A_345 = arith.constant 144 : index
          %get3A_346 = tpu.vector_load %arg7[%get3A_344, %get3A_345] {strides = array<i32>} : memref<40x256xf32, #tpu.memory_space<vmem>>, vector<1x16xf32>,
          %get3A_347 = vector.shape_cast %get3A_346 : vector<1x16xf32> to vector<16xf32>
          %mul3A_348 = arith.mulf %select_n3A_236, %get3A_29 : vector<16xf32>
          %add3A_349 = arith.addf %get3A_347, %mul3A_348 : vector<16xf32>
          %swap3A_350 = arith.index_cast %rem3A_194 : i32 to index
          %swap3A_351 = arith.index_cast %scan3A_220 : i32 to index
          %swap3A_352 = arith.constant 144 : index
          %swap3A_353 = tpu.vector_load %arg11[%swap3A_350, %swap3A_351, %swap3A_352] {strides = array<i32>} : memref<2x40x256xf32, #tpu.memory_space<vmem>>, vector<1x1x16xf32>,
          %swap3A_354 = vector.shape_cast %swap3A_353 : vector<1x1x16xf32> to vector<16xf32>
          %swap3A_355 = vector.shape_cast %add3A_349 : vector<16xf32> to vector<1x1x16xf32>
          tpu.vector_store %arg11[%swap3A_350, %swap3A_351, %swap3A_352], %swap3A_355 {strides = array<i32>} : memref<2x40x256xf32, #tpu.memory_space<vmem>>, vector<1x1x16xf32>,
          %get3A_356 = arith.index_cast %scan3A_220 : i32 to index
          %get3A_357 = arith.constant 160 : index
          %get3A_358 = tpu.vector_load %arg7[%get3A_356, %get3A_357] {strides = array<i32>} : memref<40x256xf32, #tpu.memory_space<vmem>>, vector<1x16xf32>,
          %get3A_359 = vector.shape_cast %get3A_358 : vector<1x16xf32> to vector<16xf32>
          %mul3A_360 = arith.mulf %select_n3A_236, %get3A_32 : vector<16xf32>
          %add3A_361 = arith.addf %get3A_359, %mul3A_360 : vector<16xf32>
          %swap3A_362 = arith.index_cast %rem3A_194 : i32 to index
          %swap3A_363 = arith.index_cast %scan3A_220 : i32 to index
          %swap3A_364 = arith.constant 160 : index
          %swap3A_365 = tpu.vector_load %arg11[%swap3A_362, %swap3A_363, %swap3A_364] {strides = array<i32>} : memref<2x40x256xf32, #tpu.memory_space<vmem>>, vector<1x1x16xf32>,
          %swap3A_366 = vector.shape_cast %swap3A_365 : vector<1x1x16xf32> to vector<16xf32>
          %swap3A_367 = vector.shape_cast %add3A_361 : vector<16xf32> to vector<1x1x16xf32>
          tpu.vector_store %arg11[%swap3A_362, %swap3A_363, %swap3A_364], %swap3A_367 {strides = array<i32>} : memref<2x40x256xf32, #tpu.memory_space<vmem>>, vector<1x1x16xf32>,
          %get3A_368 = arith.index_cast %scan3A_220 : i32 to index
          %get3A_369 = arith.constant 176 : index
          %get3A_370 = tpu.vector_load %arg7[%get3A_368, %get3A_369] {strides = array<i32>} : memref<40x256xf32, #tpu.memory_space<vmem>>, vector<1x16xf32>,
          %get3A_371 = vector.shape_cast %get3A_370 : vector<1x16xf32> to vector<16xf32>
          %mul3A_372 = arith.mulf %select_n3A_236, %get3A_35 : vector<16xf32>
          %add3A_373 = arith.addf %get3A_371, %mul3A_372 : vector<16xf32>
          %swap3A_374 = arith.index_cast %rem3A_194 : i32 to index
          %swap3A_375 = arith.index_cast %scan3A_220 : i32 to index
          %swap3A_376 = arith.constant 176 : index
          %swap3A_377 = tpu.vector_load %arg11[%swap3A_374, %swap3A_375, %swap3A_376] {strides = array<i32>} : memref<2x40x256xf32, #tpu.memory_space<vmem>>, vector<1x1x16xf32>,
          %swap3A_378 = vector.shape_cast %swap3A_377 : vector<1x1x16xf32> to vector<16xf32>
          %swap3A_379 = vector.shape_cast %add3A_373 : vector<16xf32> to vector<1x1x16xf32>
          tpu.vector_store %arg11[%swap3A_374, %swap3A_375, %swap3A_376], %swap3A_379 {strides = array<i32>} : memref<2x40x256xf32, #tpu.memory_space<vmem>>, vector<1x1x16xf32>,
          %get3A_380 = arith.index_cast %scan3A_220 : i32 to index
          %get3A_381 = arith.constant 192 : index
          %get3A_382 = tpu.vector_load %arg7[%get3A_380, %get3A_381] {strides = array<i32>} : memref<40x256xf32, #tpu.memory_space<vmem>>, vector<1x16xf32>,
          %get3A_383 = vector.shape_cast %get3A_382 : vector<1x16xf32> to vector<16xf32>
          %mul3A_384 = arith.mulf %select_n3A_236, %get3A_38 : vector<16xf32>
          %add3A_385 = arith.addf %get3A_383, %mul3A_384 : vector<16xf32>
          %swap3A_386 = arith.index_cast %rem3A_194 : i32 to index
          %swap3A_387 = arith.index_cast %scan3A_220 : i32 to index
          %swap3A_388 = arith.constant 192 : index
          %swap3A_389 = tpu.vector_load %arg11[%swap3A_386, %swap3A_387, %swap3A_388] {strides = array<i32>} : memref<2x40x256xf32, #tpu.memory_space<vmem>>, vector<1x1x16xf32>,
          %swap3A_390 = vector.shape_cast %swap3A_389 : vector<1x1x16xf32> to vector<16xf32>
          %swap3A_391 = vector.shape_cast %add3A_385 : vector<16xf32> to vector<1x1x16xf32>
          tpu.vector_store %arg11[%swap3A_386, %swap3A_387, %swap3A_388], %swap3A_391 {strides = array<i32>} : memref<2x40x256xf32, #tpu.memory_space<vmem>>, vector<1x1x16xf32>,
          %get3A_392 = arith.index_cast %scan3A_220 : i32 to index
          %get3A_393 = arith.constant 208 : index
          %get3A_394 = tpu.vector_load %arg7[%get3A_392, %get3A_393] {strides = array<i32>} : memref<40x256xf32, #tpu.memory_space<vmem>>, vector<1x16xf32>,
          %get3A_395 = vector.shape_cast %get3A_394 : vector<1x16xf32> to vector<16xf32>
          %mul3A_396 = arith.mulf %select_n3A_236, %get3A_41 : vector<16xf32>
          %add3A_397 = arith.addf %get3A_395, %mul3A_396 : vector<16xf32>
          %swap3A_398 = arith.index_cast %rem3A_194 : i32 to index
          %swap3A_399 = arith.index_cast %scan3A_220 : i32 to index
          %swap3A_400 = arith.constant 208 : index
          %swap3A_401 = tpu.vector_load %arg11[%swap3A_398, %swap3A_399, %swap3A_400] {strides = array<i32>} : memref<2x40x256xf32, #tpu.memory_space<vmem>>, vector<1x1x16xf32>,
          %swap3A_402 = vector.shape_cast %swap3A_401 : vector<1x1x16xf32> to vector<16xf32>
          %swap3A_403 = vector.shape_cast %add3A_397 : vector<16xf32> to vector<1x1x16xf32>
          tpu.vector_store %arg11[%swap3A_398, %swap3A_399, %swap3A_400], %swap3A_403 {strides = array<i32>} : memref<2x40x256xf32, #tpu.memory_space<vmem>>, vector<1x1x16xf32>,
          %get3A_404 = arith.index_cast %scan3A_220 : i32 to index
          %get3A_405 = arith.constant 224 : index
          %get3A_406 = tpu.vector_load %arg7[%get3A_404, %get3A_405] {strides = array<i32>} : memref<40x256xf32, #tpu.memory_space<vmem>>, vector<1x16xf32>,
          %get3A_407 = vector.shape_cast %get3A_406 : vector<1x16xf32> to vector<16xf32>
          %mul3A_408 = arith.mulf %select_n3A_236, %get3A_44 : vector<16xf32>
          %add3A_409 = arith.addf %get3A_407, %mul3A_408 : vector<16xf32>
          %swap3A_410 = arith.index_cast %rem3A_194 : i32 to index
          %swap3A_411 = arith.index_cast %scan3A_220 : i32 to index
          %swap3A_412 = arith.constant 224 : index
          %swap3A_413 = tpu.vector_load %arg11[%swap3A_410, %swap3A_411, %swap3A_412] {strides = array<i32>} : memref<2x40x256xf32, #tpu.memory_space<vmem>>, vector<1x1x16xf32>,
          %swap3A_414 = vector.shape_cast %swap3A_413 : vector<1x1x16xf32> to vector<16xf32>
          %swap3A_415 = vector.shape_cast %add3A_409 : vector<16xf32> to vector<1x1x16xf32>
          tpu.vector_store %arg11[%swap3A_410, %swap3A_411, %swap3A_412], %swap3A_415 {strides = array<i32>} : memref<2x40x256xf32, #tpu.memory_space<vmem>>, vector<1x1x16xf32>,
          %get3A_416 = arith.index_cast %scan3A_220 : i32 to index
          %get3A_417 = arith.constant 240 : index
          %get3A_418 = tpu.vector_load %arg7[%get3A_416, %get3A_417] {strides = array<i32>} : memref<40x256xf32, #tpu.memory_space<vmem>>, vector<1x16xf32>,
          %get3A_419 = vector.shape_cast %get3A_418 : vector<1x16xf32> to vector<16xf32>
          %mul3A_420 = arith.mulf %select_n3A_236, %get3A_47 : vector<16xf32>
          %add3A_421 = arith.addf %get3A_419, %mul3A_420 : vector<16xf32>
          %swap3A_422 = arith.index_cast %rem3A_194 : i32 to index
          %swap3A_423 = arith.index_cast %scan3A_220 : i32 to index
          %swap3A_424 = arith.constant 240 : index
          %swap3A_425 = tpu.vector_load %arg11[%swap3A_422, %swap3A_423, %swap3A_424] {strides = array<i32>} : memref<2x40x256xf32, #tpu.memory_space<vmem>>, vector<1x1x16xf32>,
          %swap3A_426 = vector.shape_cast %swap3A_425 : vector<1x1x16xf32> to vector<16xf32>
          %swap3A_427 = vector.shape_cast %add3A_421 : vector<16xf32> to vector<1x1x16xf32>
          tpu.vector_store %arg11[%swap3A_422, %swap3A_423, %swap3A_424], %swap3A_427 {strides = array<i32>} : memref<2x40x256xf32, #tpu.memory_space<vmem>>, vector<1x1x16xf32>,
          %scan3A_428 = arith.constant 0 : i32
          scf.yield %scan3A_428 : i32
        }
        %scan3A_203 = arith.constant 40 : i32
        %dma_start3A = arith.constant 0 : i32
        %dma_start3A_204 = arith.constant 0 : i32
        %dma_start3A_205 = tpu.memref_slice %arg11[%rem3A_194, %dma_start3A, %dma_start3A_204] : memref<2x40x256xf32, #tpu.memory_space<vmem>> -> memref<1x40x256xf32, #tpu.memory_space<vmem>>
        %dma_start3A_206 = tpu.memref_squeeze %dma_start3A_205 : memref<1x40x256xf32, #tpu.memory_space<vmem>> -> memref<40x256xf32, #tpu.memory_space<vmem>>
        %dma_start3A_207 = arith.constant 0 : i32
        %dma_start3A_208 = tpu.memref_slice %arg6[%scan3A_191, %mul3A_135, %dma_start3A_207] : memref<32x5000x256xf32, #tpu.memory_space<hbm>> -> memref<1x40x256xf32, #tpu.memory_space<hbm>>
        %dma_start3A_209 = tpu.memref_squeeze %dma_start3A_208 : memref<1x40x256xf32, #tpu.memory_space<hbm>> -> memref<40x256xf32, #tpu.memory_space<hbm>>
        %dma_start3A_210 = tpu.memref_slice %arg12[%rem3A_194] : memref<2x!tpu.dma_semaphore, #tpu.memory_space<semaphore_mem>> -> memref<1x!tpu.dma_semaphore, #tpu.memory_space<semaphore_mem>>
        %dma_start3A_211 = tpu.memref_squeeze %dma_start3A_210 : memref<1x!tpu.dma_semaphore, #tpu.memory_space<semaphore_mem>> -> memref<!tpu.dma_semaphore, #tpu.memory_space<semaphore_mem>>
        %dma_start3A_212 = arith.constant 0 : i32
        %dma_start3A_213 = tpu.memref_slice %arg6[%scan3A_191, %mul3A_135, %dma_start3A_212] : memref<32x5000x256xf32, #tpu.memory_space<hbm>> -> memref<1x40x256xf32, #tpu.memory_space<hbm>>
        %dma_start3A_214 = tpu.memref_squeeze %dma_start3A_213 : memref<1x40x256xf32, #tpu.memory_space<hbm>> -> memref<40x256xf32, #tpu.memory_space<hbm>>
        %dma_start3A_215 = arith.constant 0 : i32
        %dma_start3A_216 = arith.constant 0 : i32
        %dma_start3A_217 = tpu.memref_slice %arg11[%rem3A_194, %dma_start3A_215, %dma_start3A_216] : memref<2x40x256xf32, #tpu.memory_space<vmem>> -> memref<1x40x256xf32, #tpu.memory_space<vmem>>
        %dma_start3A_218 = tpu.memref_squeeze %dma_start3A_217 : memref<1x40x256xf32, #tpu.memory_space<vmem>> -> memref<40x256xf32, #tpu.memory_space<vmem>>
        tpu.enqueue_dma source(%dma_start3A_218 : memref<40x256xf32, #tpu.memory_space<vmem>>) target(%dma_start3A_214 : memref<40x256xf32, #tpu.memory_space<hbm>>) target_semaphore(%dma_start3A_211 : memref<!tpu.dma_semaphore, #tpu.memory_space<semaphore_mem>>)
        %scan3A_219 = arith.constant 0 : i32
        scf.yield %scan3A_219 : i32
      }
      %scan3A_148 = arith.constant 32 : i32
      %dma_wait3A = arith.constant 0 : i32
      %dma_wait3A_149 = arith.constant 0 : i32
      %dma_wait3A_150 = arith.constant 0 : i32
      %dma_wait3A_151 = arith.constant 0 : i32
      %dma_wait3A_152 = arith.constant 0 : i32
      %dma_wait3A_153 = tpu.memref_slice %arg11[%dma_wait3A, %dma_wait3A_151, %dma_wait3A_152] : memref<2x40x256xf32, #tpu.memory_space<vmem>> -> memref<1x40x256xf32, #tpu.memory_space<vmem>>
      %dma_wait3A_154 = tpu.memref_squeeze %dma_wait3A_153 : memref<1x40x256xf32, #tpu.memory_space<vmem>> -> memref<40x256xf32, #tpu.memory_space<vmem>>
      %dma_wait3A_155 = arith.constant 0 : i32
      %dma_wait3A_156 = arith.constant 0 : i32
      %dma_wait3A_157 = tpu.memref_slice %arg6[%dma_wait3A_149, %dma_wait3A_155, %dma_wait3A_156] : memref<32x5000x256xf32, #tpu.memory_space<hbm>> -> memref<1x40x256xf32, #tpu.memory_space<hbm>>
      %dma_wait3A_158 = tpu.memref_squeeze %dma_wait3A_157 : memref<1x40x256xf32, #tpu.memory_space<hbm>> -> memref<40x256xf32, #tpu.memory_space<hbm>>
      %dma_wait3A_159 = tpu.memref_slice %arg12[%dma_wait3A_150] : memref<2x!tpu.dma_semaphore, #tpu.memory_space<semaphore_mem>> -> memref<1x!tpu.dma_semaphore, #tpu.memory_space<semaphore_mem>>
      %dma_wait3A_160 = tpu.memref_squeeze %dma_wait3A_159 : memref<1x!tpu.dma_semaphore, #tpu.memory_space<semaphore_mem>> -> memref<!tpu.dma_semaphore, #tpu.memory_space<semaphore_mem>>
      %dma_wait3A_161 = arith.constant 0 : i32
      %dma_wait3A_162 = arith.constant 0 : i32
      %dma_wait3A_163 = tpu.memref_slice %arg6[%dma_wait3A_149, %dma_wait3A_161, %dma_wait3A_162] : memref<32x5000x256xf32, #tpu.memory_space<hbm>> -> memref<1x40x256xf32, #tpu.memory_space<hbm>>
      %dma_wait3A_164 = tpu.memref_squeeze %dma_wait3A_163 : memref<1x40x256xf32, #tpu.memory_space<hbm>> -> memref<40x256xf32, #tpu.memory_space<hbm>>
      %dma_wait3A_165 = arith.constant 0 : i32
      %dma_wait3A_166 = arith.constant 0 : i32
      %dma_wait3A_167 = tpu.memref_slice %arg11[%dma_wait3A, %dma_wait3A_165, %dma_wait3A_166] : memref<2x40x256xf32, #tpu.memory_space<vmem>> -> memref<1x40x256xf32, #tpu.memory_space<vmem>>
      %dma_wait3A_168 = tpu.memref_squeeze %dma_wait3A_167 : memref<1x40x256xf32, #tpu.memory_space<vmem>> -> memref<40x256xf32, #tpu.memory_space<vmem>>
      tpu.wait_dma2 semaphore(%dma_wait3A_160 : memref<!tpu.dma_semaphore, #tpu.memory_space<semaphore_mem>>) src(%dma_wait3A_168 : memref<40x256xf32, #tpu.memory_space<vmem>>) dst(%dma_wait3A_164 : memref<40x256xf32, #tpu.memory_space<hbm>>)
      %dma_wait3A_169 = arith.constant 1 : i32
      %dma_wait3A_170 = arith.constant 0 : i32
      %dma_wait3A_171 = arith.constant 1 : i32
      %dma_wait3A_172 = arith.constant 0 : i32
      %dma_wait3A_173 = arith.constant 0 : i32
      %dma_wait3A_174 = tpu.memref_slice %arg11[%dma_wait3A_169, %dma_wait3A_172, %dma_wait3A_173] : memref<2x40x256xf32, #tpu.memory_space<vmem>> -> memref<1x40x256xf32, #tpu.memory_space<vmem>>
      %dma_wait3A_175 = tpu.memref_squeeze %dma_wait3A_174 : memref<1x40x256xf32, #tpu.memory_space<vmem>> -> memref<40x256xf32, #tpu.memory_space<vmem>>
      %dma_wait3A_176 = arith.constant 0 : i32
      %dma_wait3A_177 = arith.constant 0 : i32
      %dma_wait3A_178 = tpu.memref_slice %arg6[%dma_wait3A_170, %dma_wait3A_176, %dma_wait3A_177] : memref<32x5000x256xf32, #tpu.memory_space<hbm>> -> memref<1x40x256xf32, #tpu.memory_space<hbm>>
      %dma_wait3A_179 = tpu.memref_squeeze %dma_wait3A_178 : memref<1x40x256xf32, #tpu.memory_space<hbm>> -> memref<40x256xf32, #tpu.memory_space<hbm>>
      %dma_wait3A_180 = tpu.memref_slice %arg12[%dma_wait3A_171] : memref<2x!tpu.dma_semaphore, #tpu.memory_space<semaphore_mem>> -> memref<1x!tpu.dma_semaphore, #tpu.memory_space<semaphore_mem>>
      %dma_wait3A_181 = tpu.memref_squeeze %dma_wait3A_180 : memref<1x!tpu.dma_semaphore, #tpu.memory_space<semaphore_mem>> -> memref<!tpu.dma_semaphore, #tpu.memory_space<semaphore_mem>>
      %dma_wait3A_182 = arith.constant 0 : i32
      %dma_wait3A_183 = arith.constant 0 : i32
      %dma_wait3A_184 = tpu.memref_slice %arg6[%dma_wait3A_170, %dma_wait3A_182, %dma_wait3A_183] : memref<32x5000x256xf32, #tpu.memory_space<hbm>> -> memref<1x40x256xf32, #tpu.memory_space<hbm>>
      %dma_wait3A_185 = tpu.memref_squeeze %dma_wait3A_184 : memref<1x40x256xf32, #tpu.memory_space<hbm>> -> memref<40x256xf32, #tpu.memory_space<hbm>>
      %dma_wait3A_186 = arith.constant 0 : i32
      %dma_wait3A_187 = arith.constant 0 : i32
      %dma_wait3A_188 = tpu.memref_slice %arg11[%dma_wait3A_169, %dma_wait3A_186, %dma_wait3A_187] : memref<2x40x256xf32, #tpu.memory_space<vmem>> -> memref<1x40x256xf32, #tpu.memory_space<vmem>>
      %dma_wait3A_189 = tpu.memref_squeeze %dma_wait3A_188 : memref<1x40x256xf32, #tpu.memory_space<vmem>> -> memref<40x256xf32, #tpu.memory_space<vmem>>
      tpu.wait_dma2 semaphore(%dma_wait3A_181 : memref<!tpu.dma_semaphore, #tpu.memory_space<semaphore_mem>>) src(%dma_wait3A_189 : memref<40x256xf32, #tpu.memory_space<vmem>>) dst(%dma_wait3A_185 : memref<40x256xf32, #tpu.memory_space<hbm>>)
      %while3A_190 = arith.constant 0 : i32
      scf.yield %while3A_190 : i32
    }
    %while3A_127 = arith.constant 1 : i32
    %while3A_128 = scf.for %while3A_129 = %while3A_124 to %while3A_120 step %while3A_127 iter_args(%while3A_130 = %while3A_126) -> (i32)  : i32 {
      %mul3A_131 = arith.constant 32 : i32
      %mul3A_132 = arith.muli %while3A_129, %mul3A_131 : i32
      %add3A_133 = arith.addi %add3A, %mul3A_132 : i32
      %mul3A_134 = arith.constant 40 : i32
      %mul3A_135 = arith.muli %add3A_133, %mul3A_134 : i32
      "tpu.region"() ({
        %run_scoped3A = tpu.sem_alloc : memref<!tpu.dma_semaphore, #tpu.memory_space<semaphore_mem>>
        %dma_start3A = arith.constant 0 : i32
        %dma_start3A_191 = tpu.memref_slice %arg3[%mul3A_135, %dma_start3A] : memref<5000x256xf32, #tpu.memory_space<hbm>> -> memref<40x256xf32, #tpu.memory_space<hbm>>
        %dma_start3A_192 = arith.constant 0 : i32
        %dma_start3A_193 = tpu.memref_slice %arg3[%mul3A_135, %dma_start3A_192] : memref<5000x256xf32, #tpu.memory_space<hbm>> -> memref<40x256xf32, #tpu.memory_space<hbm>>
        tpu.enqueue_dma source(%dma_start3A_193 : memref<40x256xf32, #tpu.memory_space<hbm>>) target(%arg7 : memref<40x256xf32, #tpu.memory_space<vmem>>) target_semaphore(%run_scoped3A : memref<!tpu.dma_semaphore, #tpu.memory_space<semaphore_mem>>)
        %dma_wait3A_194 = arith.constant 0 : i32
        %dma_wait3A_195 = tpu.memref_slice %arg3[%mul3A_135, %dma_wait3A_194] : memref<5000x256xf32, #tpu.memory_space<hbm>> -> memref<40x256xf32, #tpu.memory_space<hbm>>
        %dma_wait3A_196 = arith.constant 0 : i32
        %dma_wait3A_197 = tpu.memref_slice %arg3[%mul3A_135, %dma_wait3A_196] : memref<5000x256xf32, #tpu.memory_space<hbm>> -> memref<40x256xf32, #tpu.memory_space<hbm>>
        tpu.wait_dma2 semaphore(%run_scoped3A : memref<!tpu.dma_semaphore, #tpu.memory_space<semaphore_mem>>) src(%dma_wait3A_197 : memref<40x256xf32, #tpu.memory_space<hbm>>) dst(%arg7 : memref<40x256xf32, #tpu.memory_space<vmem>>)
        tpu.yield
      }) : () -> ()
      "tpu.region"() ({
        %run_scoped3A = tpu.sem_alloc : memref<!tpu.dma_semaphore, #tpu.memory_space<semaphore_mem>>
        %dma_start3A = arith.constant 0 : i32
        %dma_start3A_191 = tpu.memref_slice %arg2[%mul3A_135, %dma_start3A] : memref<5000x32xf32, #tpu.memory_space<hbm>> -> memref<40x32xf32, #tpu.memory_space<hbm>>
        %dma_start3A_192 = arith.constant 0 : i32
        %dma_start3A_193 = tpu.memref_slice %arg2[%mul3A_135, %dma_start3A_192] : memref<5000x32xf32, #tpu.memory_space<hbm>> -> memref<40x32xf32, #tpu.memory_space<hbm>>
        tpu.enqueue_dma source(%dma_start3A_193 : memref<40x32xf32, #tpu.memory_space<hbm>>) target(%arg8 : memref<40x32xf32, #tpu.memory_space<vmem>>) target_semaphore(%run_scoped3A : memref<!tpu.dma_semaphore, #tpu.memory_space<semaphore_mem>>)
        %dma_wait3A_194 = arith.constant 0 : i32
        %dma_wait3A_195 = tpu.memref_slice %arg2[%mul3A_135, %dma_wait3A_194] : memref<5000x32xf32, #tpu.memory_space<hbm>> -> memref<40x32xf32, #tpu.memory_space<hbm>>
        %dma_wait3A_196 = arith.constant 0 : i32
        %dma_wait3A_197 = tpu.memref_slice %arg2[%mul3A_135, %dma_wait3A_196] : memref<5000x32xf32, #tpu.memory_space<hbm>> -> memref<40x32xf32, #tpu.memory_space<hbm>>
        tpu.wait_dma2 semaphore(%run_scoped3A : memref<!tpu.dma_semaphore, #tpu.memory_space<semaphore_mem>>) src(%dma_wait3A_197 : memref<40x32xf32, #tpu.memory_space<hbm>>) dst(%arg8 : memref<40x32xf32, #tpu.memory_space<vmem>>)
        tpu.yield
      }) : () -> ()
      %scan3A = arith.constant 0 : i32
      %scan3A_136 = arith.constant 0 : i32
      %scan3A_137 = arith.constant 40 : i32
      %scan3A_138 = arith.addi %scan3A_136, %scan3A_137 : i32
      %scan3A_139 = arith.constant 1 : i32
      %scan3A_140 = scf.for %scan3A_191 = %scan3A_136 to %scan3A_138 step %scan3A_139 iter_args(%scan3A_192 = %scan3A) -> (i32)  : i32 {
        %get3A_193 = arith.index_cast %scan3A_191 : i32 to index
        %get3A_194 = arith.constant 0 : index
        %get3A_195 = tpu.vector_load %arg7[%get3A_193, %get3A_194] {strides = array<i32>} : memref<40x256xf32, #tpu.memory_space<vmem>>, vector<1x16xf32>,
        %get3A_196 = vector.shape_cast %get3A_195 : vector<1x16xf32> to vector<16xf32>
        %add3A_197 = arith.addf %get3A_196, %get3A_50 : vector<16xf32>
        %swap3A = arith.index_cast %scan3A_191 : i32 to index
        %swap3A_198 = arith.constant 0 : index
        %swap3A_199 = tpu.vector_load %arg7[%swap3A, %swap3A_198] {strides = array<i32>} : memref<40x256xf32, #tpu.memory_space<vmem>>, vector<1x16xf32>,
        %swap3A_200 = vector.shape_cast %swap3A_199 : vector<1x16xf32> to vector<16xf32>
        %swap3A_201 = vector.shape_cast %add3A_197 : vector<16xf32> to vector<1x16xf32>
        tpu.vector_store %arg7[%swap3A, %swap3A_198], %swap3A_201 {strides = array<i32>} : memref<40x256xf32, #tpu.memory_space<vmem>>, vector<1x16xf32>,
        %get3A_202 = arith.index_cast %scan3A_191 : i32 to index
        %get3A_203 = arith.constant 16 : index
        %get3A_204 = tpu.vector_load %arg7[%get3A_202, %get3A_203] {strides = array<i32>} : memref<40x256xf32, #tpu.memory_space<vmem>>, vector<1x16xf32>,
        %get3A_205 = vector.shape_cast %get3A_204 : vector<1x16xf32> to vector<16xf32>
        %add3A_206 = arith.addf %get3A_205, %get3A_53 : vector<16xf32>
        %swap3A_207 = arith.index_cast %scan3A_191 : i32 to index
        %swap3A_208 = arith.constant 16 : index
        %swap3A_209 = tpu.vector_load %arg7[%swap3A_207, %swap3A_208] {strides = array<i32>} : memref<40x256xf32, #tpu.memory_space<vmem>>, vector<1x16xf32>,
        %swap3A_210 = vector.shape_cast %swap3A_209 : vector<1x16xf32> to vector<16xf32>
        %swap3A_211 = vector.shape_cast %add3A_206 : vector<16xf32> to vector<1x16xf32>
        tpu.vector_store %arg7[%swap3A_207, %swap3A_208], %swap3A_211 {strides = array<i32>} : memref<40x256xf32, #tpu.memory_space<vmem>>, vector<1x16xf32>,
        %get3A_212 = arith.index_cast %scan3A_191 : i32 to index
        %get3A_213 = arith.constant 32 : index
        %get3A_214 = tpu.vector_load %arg7[%get3A_212, %get3A_213] {strides = array<i32>} : memref<40x256xf32, #tpu.memory_space<vmem>>, vector<1x16xf32>,
        %get3A_215 = vector.shape_cast %get3A_214 : vector<1x16xf32> to vector<16xf32>
        %add3A_216 = arith.addf %get3A_215, %get3A_56 : vector<16xf32>
        %swap3A_217 = arith.index_cast %scan3A_191 : i32 to index
        %swap3A_218 = arith.constant 32 : index
        %swap3A_219 = tpu.vector_load %arg7[%swap3A_217, %swap3A_218] {strides = array<i32>} : memref<40x256xf32, #tpu.memory_space<vmem>>, vector<1x16xf32>,
        %swap3A_220 = vector.shape_cast %swap3A_219 : vector<1x16xf32> to vector<16xf32>
        %swap3A_221 = vector.shape_cast %add3A_216 : vector<16xf32> to vector<1x16xf32>
        tpu.vector_store %arg7[%swap3A_217, %swap3A_218], %swap3A_221 {strides = array<i32>} : memref<40x256xf32, #tpu.memory_space<vmem>>, vector<1x16xf32>,
        %get3A_222 = arith.index_cast %scan3A_191 : i32 to index
        %get3A_223 = arith.constant 48 : index
        %get3A_224 = tpu.vector_load %arg7[%get3A_222, %get3A_223] {strides = array<i32>} : memref<40x256xf32, #tpu.memory_space<vmem>>, vector<1x16xf32>,
        %get3A_225 = vector.shape_cast %get3A_224 : vector<1x16xf32> to vector<16xf32>
        %add3A_226 = arith.addf %get3A_225, %get3A_59 : vector<16xf32>
        %swap3A_227 = arith.index_cast %scan3A_191 : i32 to index
        %swap3A_228 = arith.constant 48 : index
        %swap3A_229 = tpu.vector_load %arg7[%swap3A_227, %swap3A_228] {strides = array<i32>} : memref<40x256xf32, #tpu.memory_space<vmem>>, vector<1x16xf32>,
        %swap3A_230 = vector.shape_cast %swap3A_229 : vector<1x16xf32> to vector<16xf32>
        %swap3A_231 = vector.shape_cast %add3A_226 : vector<16xf32> to vector<1x16xf32>
        tpu.vector_store %arg7[%swap3A_227, %swap3A_228], %swap3A_231 {strides = array<i32>} : memref<40x256xf32, #tpu.memory_space<vmem>>, vector<1x16xf32>,
        %get3A_232 = arith.index_cast %scan3A_191 : i32 to index
        %get3A_233 = arith.constant 64 : index
        %get3A_234 = tpu.vector_load %arg7[%get3A_232, %get3A_233] {strides = array<i32>} : memref<40x256xf32, #tpu.memory_space<vmem>>, vector<1x16xf32>,
        %get3A_235 = vector.shape_cast %get3A_234 : vector<1x16xf32> to vector<16xf32>
        %add3A_236 = arith.addf %get3A_235, %get3A_62 : vector<16xf32>
        %swap3A_237 = arith.index_cast %scan3A_191 : i32 to index
        %swap3A_238 = arith.constant 64 : index
        %swap3A_239 = tpu.vector_load %arg7[%swap3A_237, %swap3A_238] {strides = array<i32>} : memref<40x256xf32, #tpu.memory_space<vmem>>, vector<1x16xf32>,
        %swap3A_240 = vector.shape_cast %swap3A_239 : vector<1x16xf32> to vector<16xf32>
        %swap3A_241 = vector.shape_cast %add3A_236 : vector<16xf32> to vector<1x16xf32>
        tpu.vector_store %arg7[%swap3A_237, %swap3A_238], %swap3A_241 {strides = array<i32>} : memref<40x256xf32, #tpu.memory_space<vmem>>, vector<1x16xf32>,
        %get3A_242 = arith.index_cast %scan3A_191 : i32 to index
        %get3A_243 = arith.constant 80 : index
        %get3A_244 = tpu.vector_load %arg7[%get3A_242, %get3A_243] {strides = array<i32>} : memref<40x256xf32, #tpu.memory_space<vmem>>, vector<1x16xf32>,
        %get3A_245 = vector.shape_cast %get3A_244 : vector<1x16xf32> to vector<16xf32>
        %add3A_246 = arith.addf %get3A_245, %get3A_65 : vector<16xf32>
        %swap3A_247 = arith.index_cast %scan3A_191 : i32 to index
        %swap3A_248 = arith.constant 80 : index
        %swap3A_249 = tpu.vector_load %arg7[%swap3A_247, %swap3A_248] {strides = array<i32>} : memref<40x256xf32, #tpu.memory_space<vmem>>, vector<1x16xf32>,
        %swap3A_250 = vector.shape_cast %swap3A_249 : vector<1x16xf32> to vector<16xf32>
        %swap3A_251 = vector.shape_cast %add3A_246 : vector<16xf32> to vector<1x16xf32>
        tpu.vector_store %arg7[%swap3A_247, %swap3A_248], %swap3A_251 {strides = array<i32>} : memref<40x256xf32, #tpu.memory_space<vmem>>, vector<1x16xf32>,
        %get3A_252 = arith.index_cast %scan3A_191 : i32 to index
        %get3A_253 = arith.constant 96 : index
        %get3A_254 = tpu.vector_load %arg7[%get3A_252, %get3A_253] {strides = array<i32>} : memref<40x256xf32, #tpu.memory_space<vmem>>, vector<1x16xf32>,
        %get3A_255 = vector.shape_cast %get3A_254 : vector<1x16xf32> to vector<16xf32>
        %add3A_256 = arith.addf %get3A_255, %get3A_68 : vector<16xf32>
        %swap3A_257 = arith.index_cast %scan3A_191 : i32 to index
        %swap3A_258 = arith.constant 96 : index
        %swap3A_259 = tpu.vector_load %arg7[%swap3A_257, %swap3A_258] {strides = array<i32>} : memref<40x256xf32, #tpu.memory_space<vmem>>, vector<1x16xf32>,
        %swap3A_260 = vector.shape_cast %swap3A_259 : vector<1x16xf32> to vector<16xf32>
        %swap3A_261 = vector.shape_cast %add3A_256 : vector<16xf32> to vector<1x16xf32>
        tpu.vector_store %arg7[%swap3A_257, %swap3A_258], %swap3A_261 {strides = array<i32>} : memref<40x256xf32, #tpu.memory_space<vmem>>, vector<1x16xf32>,
        %get3A_262 = arith.index_cast %scan3A_191 : i32 to index
        %get3A_263 = arith.constant 112 : index
        %get3A_264 = tpu.vector_load %arg7[%get3A_262, %get3A_263] {strides = array<i32>} : memref<40x256xf32, #tpu.memory_space<vmem>>, vector<1x16xf32>,
        %get3A_265 = vector.shape_cast %get3A_264 : vector<1x16xf32> to vector<16xf32>
        %add3A_266 = arith.addf %get3A_265, %get3A_71 : vector<16xf32>
        %swap3A_267 = arith.index_cast %scan3A_191 : i32 to index
        %swap3A_268 = arith.constant 112 : index
        %swap3A_269 = tpu.vector_load %arg7[%swap3A_267, %swap3A_268] {strides = array<i32>} : memref<40x256xf32, #tpu.memory_space<vmem>>, vector<1x16xf32>,
        %swap3A_270 = vector.shape_cast %swap3A_269 : vector<1x16xf32> to vector<16xf32>
        %swap3A_271 = vector.shape_cast %add3A_266 : vector<16xf32> to vector<1x16xf32>
        tpu.vector_store %arg7[%swap3A_267, %swap3A_268], %swap3A_271 {strides = array<i32>} : memref<40x256xf32, #tpu.memory_space<vmem>>, vector<1x16xf32>,
        %get3A_272 = arith.index_cast %scan3A_191 : i32 to index
        %get3A_273 = arith.constant 128 : index
        %get3A_274 = tpu.vector_load %arg7[%get3A_272, %get3A_273] {strides = array<i32>} : memref<40x256xf32, #tpu.memory_space<vmem>>, vector<1x16xf32>,
        %get3A_275 = vector.shape_cast %get3A_274 : vector<1x16xf32> to vector<16xf32>
        %add3A_276 = arith.addf %get3A_275, %get3A_74 : vector<16xf32>
        %swap3A_277 = arith.index_cast %scan3A_191 : i32 to index
        %swap3A_278 = arith.constant 128 : index
        %swap3A_279 = tpu.vector_load %arg7[%swap3A_277, %swap3A_278] {strides = array<i32>} : memref<40x256xf32, #tpu.memory_space<vmem>>, vector<1x16xf32>,
        %swap3A_280 = vector.shape_cast %swap3A_279 : vector<1x16xf32> to vector<16xf32>
        %swap3A_281 = vector.shape_cast %add3A_276 : vector<16xf32> to vector<1x16xf32>
        tpu.vector_store %arg7[%swap3A_277, %swap3A_278], %swap3A_281 {strides = array<i32>} : memref<40x256xf32, #tpu.memory_space<vmem>>, vector<1x16xf32>,
        %get3A_282 = arith.index_cast %scan3A_191 : i32 to index
        %get3A_283 = arith.constant 144 : index
        %get3A_284 = tpu.vector_load %arg7[%get3A_282, %get3A_283] {strides = array<i32>} : memref<40x256xf32, #tpu.memory_space<vmem>>, vector<1x16xf32>,
        %get3A_285 = vector.shape_cast %get3A_284 : vector<1x16xf32> to vector<16xf32>
        %add3A_286 = arith.addf %get3A_285, %get3A_77 : vector<16xf32>
        %swap3A_287 = arith.index_cast %scan3A_191 : i32 to index
        %swap3A_288 = arith.constant 144 : index
        %swap3A_289 = tpu.vector_load %arg7[%swap3A_287, %swap3A_288] {strides = array<i32>} : memref<40x256xf32, #tpu.memory_space<vmem>>, vector<1x16xf32>,
        %swap3A_290 = vector.shape_cast %swap3A_289 : vector<1x16xf32> to vector<16xf32>
        %swap3A_291 = vector.shape_cast %add3A_286 : vector<16xf32> to vector<1x16xf32>
        tpu.vector_store %arg7[%swap3A_287, %swap3A_288], %swap3A_291 {strides = array<i32>} : memref<40x256xf32, #tpu.memory_space<vmem>>, vector<1x16xf32>,
        %get3A_292 = arith.index_cast %scan3A_191 : i32 to index
        %get3A_293 = arith.constant 160 : index
        %get3A_294 = tpu.vector_load %arg7[%get3A_292, %get3A_293] {strides = array<i32>} : memref<40x256xf32, #tpu.memory_space<vmem>>, vector<1x16xf32>,
        %get3A_295 = vector.shape_cast %get3A_294 : vector<1x16xf32> to vector<16xf32>
        %add3A_296 = arith.addf %get3A_295, %get3A_80 : vector<16xf32>
        %swap3A_297 = arith.index_cast %scan3A_191 : i32 to index
        %swap3A_298 = arith.constant 160 : index
        %swap3A_299 = tpu.vector_load %arg7[%swap3A_297, %swap3A_298] {strides = array<i32>} : memref<40x256xf32, #tpu.memory_space<vmem>>, vector<1x16xf32>,
        %swap3A_300 = vector.shape_cast %swap3A_299 : vector<1x16xf32> to vector<16xf32>
        %swap3A_301 = vector.shape_cast %add3A_296 : vector<16xf32> to vector<1x16xf32>
        tpu.vector_store %arg7[%swap3A_297, %swap3A_298], %swap3A_301 {strides = array<i32>} : memref<40x256xf32, #tpu.memory_space<vmem>>, vector<1x16xf32>,
        %get3A_302 = arith.index_cast %scan3A_191 : i32 to index
        %get3A_303 = arith.constant 176 : index
        %get3A_304 = tpu.vector_load %arg7[%get3A_302, %get3A_303] {strides = array<i32>} : memref<40x256xf32, #tpu.memory_space<vmem>>, vector<1x16xf32>,
        %get3A_305 = vector.shape_cast %get3A_304 : vector<1x16xf32> to vector<16xf32>
        %add3A_306 = arith.addf %get3A_305, %get3A_83 : vector<16xf32>
        %swap3A_307 = arith.index_cast %scan3A_191 : i32 to index
        %swap3A_308 = arith.constant 176 : index
        %swap3A_309 = tpu.vector_load %arg7[%swap3A_307, %swap3A_308] {strides = array<i32>} : memref<40x256xf32, #tpu.memory_space<vmem>>, vector<1x16xf32>,
        %swap3A_310 = vector.shape_cast %swap3A_309 : vector<1x16xf32> to vector<16xf32>
        %swap3A_311 = vector.shape_cast %add3A_306 : vector<16xf32> to vector<1x16xf32>
        tpu.vector_store %arg7[%swap3A_307, %swap3A_308], %swap3A_311 {strides = array<i32>} : memref<40x256xf32, #tpu.memory_space<vmem>>, vector<1x16xf32>,
        %get3A_312 = arith.index_cast %scan3A_191 : i32 to index
        %get3A_313 = arith.constant 192 : index
        %get3A_314 = tpu.vector_load %arg7[%get3A_312, %get3A_313] {strides = array<i32>} : memref<40x256xf32, #tpu.memory_space<vmem>>, vector<1x16xf32>,
        %get3A_315 = vector.shape_cast %get3A_314 : vector<1x16xf32> to vector<16xf32>
        %add3A_316 = arith.addf %get3A_315, %get3A_86 : vector<16xf32>
        %swap3A_317 = arith.index_cast %scan3A_191 : i32 to index
        %swap3A_318 = arith.constant 192 : index
        %swap3A_319 = tpu.vector_load %arg7[%swap3A_317, %swap3A_318] {strides = array<i32>} : memref<40x256xf32, #tpu.memory_space<vmem>>, vector<1x16xf32>,
        %swap3A_320 = vector.shape_cast %swap3A_319 : vector<1x16xf32> to vector<16xf32>
        %swap3A_321 = vector.shape_cast %add3A_316 : vector<16xf32> to vector<1x16xf32>
        tpu.vector_store %arg7[%swap3A_317, %swap3A_318], %swap3A_321 {strides = array<i32>} : memref<40x256xf32, #tpu.memory_space<vmem>>, vector<1x16xf32>,
        %get3A_322 = arith.index_cast %scan3A_191 : i32 to index
        %get3A_323 = arith.constant 208 : index
        %get3A_324 = tpu.vector_load %arg7[%get3A_322, %get3A_323] {strides = array<i32>} : memref<40x256xf32, #tpu.memory_space<vmem>>, vector<1x16xf32>,
        %get3A_325 = vector.shape_cast %get3A_324 : vector<1x16xf32> to vector<16xf32>
        %add3A_326 = arith.addf %get3A_325, %get3A_89 : vector<16xf32>
        %swap3A_327 = arith.index_cast %scan3A_191 : i32 to index
        %swap3A_328 = arith.constant 208 : index
        %swap3A_329 = tpu.vector_load %arg7[%swap3A_327, %swap3A_328] {strides = array<i32>} : memref<40x256xf32, #tpu.memory_space<vmem>>, vector<1x16xf32>,
        %swap3A_330 = vector.shape_cast %swap3A_329 : vector<1x16xf32> to vector<16xf32>
        %swap3A_331 = vector.shape_cast %add3A_326 : vector<16xf32> to vector<1x16xf32>
        tpu.vector_store %arg7[%swap3A_327, %swap3A_328], %swap3A_331 {strides = array<i32>} : memref<40x256xf32, #tpu.memory_space<vmem>>, vector<1x16xf32>,
        %get3A_332 = arith.index_cast %scan3A_191 : i32 to index
        %get3A_333 = arith.constant 224 : index
        %get3A_334 = tpu.vector_load %arg7[%get3A_332, %get3A_333] {strides = array<i32>} : memref<40x256xf32, #tpu.memory_space<vmem>>, vector<1x16xf32>,
        %get3A_335 = vector.shape_cast %get3A_334 : vector<1x16xf32> to vector<16xf32>
        %add3A_336 = arith.addf %get3A_335, %get3A_92 : vector<16xf32>
        %swap3A_337 = arith.index_cast %scan3A_191 : i32 to index
        %swap3A_338 = arith.constant 224 : index
        %swap3A_339 = tpu.vector_load %arg7[%swap3A_337, %swap3A_338] {strides = array<i32>} : memref<40x256xf32, #tpu.memory_space<vmem>>, vector<1x16xf32>,
        %swap3A_340 = vector.shape_cast %swap3A_339 : vector<1x16xf32> to vector<16xf32>
        %swap3A_341 = vector.shape_cast %add3A_336 : vector<16xf32> to vector<1x16xf32>
        tpu.vector_store %arg7[%swap3A_337, %swap3A_338], %swap3A_341 {strides = array<i32>} : memref<40x256xf32, #tpu.memory_space<vmem>>, vector<1x16xf32>,
        %get3A_342 = arith.index_cast %scan3A_191 : i32 to index
        %get3A_343 = arith.constant 240 : index
        %get3A_344 = tpu.vector_load %arg7[%get3A_342, %get3A_343] {strides = array<i32>} : memref<40x256xf32, #tpu.memory_space<vmem>>, vector<1x16xf32>,
        %get3A_345 = vector.shape_cast %get3A_344 : vector<1x16xf32> to vector<16xf32>
        %add3A_346 = arith.addf %get3A_345, %get3A_95 : vector<16xf32>
        %swap3A_347 = arith.index_cast %scan3A_191 : i32 to index
        %swap3A_348 = arith.constant 240 : index
        %swap3A_349 = tpu.vector_load %arg7[%swap3A_347, %swap3A_348] {strides = array<i32>} : memref<40x256xf32, #tpu.memory_space<vmem>>, vector<1x16xf32>,
        %swap3A_350 = vector.shape_cast %swap3A_349 : vector<1x16xf32> to vector<16xf32>
        %swap3A_351 = vector.shape_cast %add3A_346 : vector<16xf32> to vector<1x16xf32>
        tpu.vector_store %arg7[%swap3A_347, %swap3A_348], %swap3A_351 {strides = array<i32>} : memref<40x256xf32, #tpu.memory_space<vmem>>, vector<1x16xf32>,
        %scan3A_352 = arith.constant 0 : i32
        scf.yield %scan3A_352 : i32
      }
      %scan3A_141 = arith.constant 40 : i32
      %scan3A_142 = arith.constant 0 : i32
      %scan3A_143 = arith.constant 0 : i32
      %scan3A_144 = arith.constant 32 : i32
      %scan3A_145 = arith.addi %scan3A_143, %scan3A_144 : i32
      %scan3A_146 = arith.constant 1 : i32
      %scan3A_147 = scf.for %scan3A_191 = %scan3A_143 to %scan3A_145 step %scan3A_146 iter_args(%scan3A_192 = %scan3A_142) -> (i32)  : i32 {
        %rem3A_193 = arith.constant 2 : i32
        %rem3A_194 = arith.remsi %scan3A_191, %rem3A_193 : i32
        %ge3A = arith.constant 2 : i32
        %ge3A_195 = arith.cmpi sge, %scan3A_191, %ge3A : i32
        %convert_element_type3A = arith.extui %ge3A_195 : i1 to i32
        %cond3A = arith.constant 0 : i32
        %cond3A_196 = arith.cmpi ne, %convert_element_type3A, %cond3A : i32
        scf.if %cond3A_196 {
          %dma_wait3A_220 = arith.constant 0 : i32
          %dma_wait3A_221 = arith.constant 0 : i32
          %dma_wait3A_222 = arith.constant 0 : i32
          %dma_wait3A_223 = tpu.memref_slice %arg11[%rem3A_194, %dma_wait3A_221, %dma_wait3A_222] : memref<2x40x256xf32, #tpu.memory_space<vmem>> -> memref<1x40x256xf32, #tpu.memory_space<vmem>>
          %dma_wait3A_224 = tpu.memref_squeeze %dma_wait3A_223 : memref<1x40x256xf32, #tpu.memory_space<vmem>> -> memref<40x256xf32, #tpu.memory_space<vmem>>
          %dma_wait3A_225 = arith.constant 0 : i32
          %dma_wait3A_226 = arith.constant 0 : i32
          %dma_wait3A_227 = tpu.memref_slice %arg6[%dma_wait3A_220, %dma_wait3A_225, %dma_wait3A_226] : memref<32x5000x256xf32, #tpu.memory_space<hbm>> -> memref<1x40x256xf32, #tpu.memory_space<hbm>>
          %dma_wait3A_228 = tpu.memref_squeeze %dma_wait3A_227 : memref<1x40x256xf32, #tpu.memory_space<hbm>> -> memref<40x256xf32, #tpu.memory_space<hbm>>
          %dma_wait3A_229 = tpu.memref_slice %arg12[%rem3A_194] : memref<2x!tpu.dma_semaphore, #tpu.memory_space<semaphore_mem>> -> memref<1x!tpu.dma_semaphore, #tpu.memory_space<semaphore_mem>>
          %dma_wait3A_230 = tpu.memref_squeeze %dma_wait3A_229 : memref<1x!tpu.dma_semaphore, #tpu.memory_space<semaphore_mem>> -> memref<!tpu.dma_semaphore, #tpu.memory_space<semaphore_mem>>
          %dma_wait3A_231 = arith.constant 0 : i32
          %dma_wait3A_232 = arith.constant 0 : i32
          %dma_wait3A_233 = tpu.memref_slice %arg6[%dma_wait3A_220, %dma_wait3A_231, %dma_wait3A_232] : memref<32x5000x256xf32, #tpu.memory_space<hbm>> -> memref<1x40x256xf32, #tpu.memory_space<hbm>>
          %dma_wait3A_234 = tpu.memref_squeeze %dma_wait3A_233 : memref<1x40x256xf32, #tpu.memory_space<hbm>> -> memref<40x256xf32, #tpu.memory_space<hbm>>
          %dma_wait3A_235 = arith.constant 0 : i32
          %dma_wait3A_236 = arith.constant 0 : i32
          %dma_wait3A_237 = tpu.memref_slice %arg11[%rem3A_194, %dma_wait3A_235, %dma_wait3A_236] : memref<2x40x256xf32, #tpu.memory_space<vmem>> -> memref<1x40x256xf32, #tpu.memory_space<vmem>>
          %dma_wait3A_238 = tpu.memref_squeeze %dma_wait3A_237 : memref<1x40x256xf32, #tpu.memory_space<vmem>> -> memref<40x256xf32, #tpu.memory_space<vmem>>
          tpu.wait_dma2 semaphore(%dma_wait3A_230 : memref<!tpu.dma_semaphore, #tpu.memory_space<semaphore_mem>>) src(%dma_wait3A_238 : memref<40x256xf32, #tpu.memory_space<vmem>>) dst(%dma_wait3A_234 : memref<40x256xf32, #tpu.memory_space<hbm>>)
        } else {
        }
        %scan3A_197 = arith.constant 0 : i32
        %scan3A_198 = arith.constant 0 : i32
        %scan3A_199 = arith.constant 40 : i32
        %scan3A_200 = arith.addi %scan3A_198, %scan3A_199 : i32
        %scan3A_201 = arith.constant 1 : i32
        %scan3A_202 = scf.for %scan3A_220 = %scan3A_198 to %scan3A_200 step %scan3A_201 iter_args(%scan3A_221 = %scan3A_197) -> (i32)  : i32 {
          %get3A_222 = arith.index_cast %scan3A_220 : i32 to index
          %get3A_223 = arith.constant 0 : index
          %get3A_224 = tpu.vector_load %arg8[%get3A_222, %get3A_223] {strides = array<i32>} : memref<40x32xf32, #tpu.memory_space<vmem>>, vector<1x16xf32>,
          %get3A_225 = vector.shape_cast %get3A_224 : vector<1x16xf32> to vector<16xf32>
          %get3A_226 = arith.index_cast %scan3A_220 : i32 to index
          %get3A_227 = arith.constant 16 : index
          %get3A_228 = tpu.vector_load %arg8[%get3A_226, %get3A_227] {strides = array<i32>} : memref<40x32xf32, #tpu.memory_space<vmem>>, vector<1x16xf32>,
          %get3A_229 = vector.shape_cast %get3A_228 : vector<1x16xf32> to vector<16xf32>
          %rem3A_230 = arith.constant 16 : i32
          %rem3A_231 = arith.remsi %scan3A_191, %rem3A_230 : i32
          %broadcast_in_dim3A = vector.broadcast %rem3A_231 : i32 to vector<16x1xi32>
          %gather3A = vector.shape_cast %broadcast_in_dim3A : vector<16x1xi32> to vector<16xi32>
          %gather3A_232 = tpu.dynamic_gather %get3A_225[%gather3A] in [0] : vector<16xf32>, vector<16xi32> -> vector<16xf32>
          %gather3A_233 = vector.shape_cast %broadcast_in_dim3A : vector<16x1xi32> to vector<16xi32>
          %gather3A_234 = tpu.dynamic_gather %get3A_229[%gather3A_233] in [0] : vector<16xf32>, vector<16xi32> -> vector<16xf32>
          %lt3A = arith.constant 16 : i32
          %lt3A_235 = arith.cmpi slt, %scan3A_191, %lt3A : i32
          %select_n3A_236 = arith.select %lt3A_235, %gather3A_232, %gather3A_234 : vector<16xf32>
          %get3A_237 = arith.index_cast %scan3A_220 : i32 to index
          %get3A_238 = arith.constant 0 : index
          %get3A_239 = tpu.vector_load %arg7[%get3A_237, %get3A_238] {strides = array<i32>} : memref<40x256xf32, #tpu.memory_space<vmem>>, vector<1x16xf32>,
          %get3A_240 = vector.shape_cast %get3A_239 : vector<1x16xf32> to vector<16xf32>
          %mul3A_241 = arith.mulf %select_n3A_236, %get3A_2 : vector<16xf32>
          %add3A_242 = arith.addf %get3A_240, %mul3A_241 : vector<16xf32>
          %swap3A = arith.index_cast %rem3A_194 : i32 to index
          %swap3A_243 = arith.index_cast %scan3A_220 : i32 to index
          %swap3A_244 = arith.constant 0 : index
          %swap3A_245 = tpu.vector_load %arg11[%swap3A, %swap3A_243, %swap3A_244] {strides = array<i32>} : memref<2x40x256xf32, #tpu.memory_space<vmem>>, vector<1x1x16xf32>,
          %swap3A_246 = vector.shape_cast %swap3A_245 : vector<1x1x16xf32> to vector<16xf32>
          %swap3A_247 = vector.shape_cast %add3A_242 : vector<16xf32> to vector<1x1x16xf32>
          tpu.vector_store %arg11[%swap3A, %swap3A_243, %swap3A_244], %swap3A_247 {strides = array<i32>} : memref<2x40x256xf32, #tpu.memory_space<vmem>>, vector<1x1x16xf32>,
          %get3A_248 = arith.index_cast %scan3A_220 : i32 to index
          %get3A_249 = arith.constant 16 : index
          %get3A_250 = tpu.vector_load %arg7[%get3A_248, %get3A_249] {strides = array<i32>} : memref<40x256xf32, #tpu.memory_space<vmem>>, vector<1x16xf32>,
          %get3A_251 = vector.shape_cast %get3A_250 : vector<1x16xf32> to vector<16xf32>
          %mul3A_252 = arith.mulf %select_n3A_236, %get3A_5 : vector<16xf32>
          %add3A_253 = arith.addf %get3A_251, %mul3A_252 : vector<16xf32>
          %swap3A_254 = arith.index_cast %rem3A_194 : i32 to index
          %swap3A_255 = arith.index_cast %scan3A_220 : i32 to index
          %swap3A_256 = arith.constant 16 : index
          %swap3A_257 = tpu.vector_load %arg11[%swap3A_254, %swap3A_255, %swap3A_256] {strides = array<i32>} : memref<2x40x256xf32, #tpu.memory_space<vmem>>, vector<1x1x16xf32>,
          %swap3A_258 = vector.shape_cast %swap3A_257 : vector<1x1x16xf32> to vector<16xf32>
          %swap3A_259 = vector.shape_cast %add3A_253 : vector<16xf32> to vector<1x1x16xf32>
          tpu.vector_store %arg11[%swap3A_254, %swap3A_255, %swap3A_256], %swap3A_259 {strides = array<i32>} : memref<2x40x256xf32, #tpu.memory_space<vmem>>, vector<1x1x16xf32>,
          %get3A_260 = arith.index_cast %scan3A_220 : i32 to index
          %get3A_261 = arith.constant 32 : index
          %get3A_262 = tpu.vector_load %arg7[%get3A_260, %get3A_261] {strides = array<i32>} : memref<40x256xf32, #tpu.memory_space<vmem>>, vector<1x16xf32>,
          %get3A_263 = vector.shape_cast %get3A_262 : vector<1x16xf32> to vector<16xf32>
          %mul3A_264 = arith.mulf %select_n3A_236, %get3A_8 : vector<16xf32>
          %add3A_265 = arith.addf %get3A_263, %mul3A_264 : vector<16xf32>
          %swap3A_266 = arith.index_cast %rem3A_194 : i32 to index
          %swap3A_267 = arith.index_cast %scan3A_220 : i32 to index
          %swap3A_268 = arith.constant 32 : index
          %swap3A_269 = tpu.vector_load %arg11[%swap3A_266, %swap3A_267, %swap3A_268] {strides = array<i32>} : memref<2x40x256xf32, #tpu.memory_space<vmem>>, vector<1x1x16xf32>,
          %swap3A_270 = vector.shape_cast %swap3A_269 : vector<1x1x16xf32> to vector<16xf32>
          %swap3A_271 = vector.shape_cast %add3A_265 : vector<16xf32> to vector<1x1x16xf32>
          tpu.vector_store %arg11[%swap3A_266, %swap3A_267, %swap3A_268], %swap3A_271 {strides = array<i32>} : memref<2x40x256xf32, #tpu.memory_space<vmem>>, vector<1x1x16xf32>,
          %get3A_272 = arith.index_cast %scan3A_220 : i32 to index
          %get3A_273 = arith.constant 48 : index
          %get3A_274 = tpu.vector_load %arg7[%get3A_272, %get3A_273] {strides = array<i32>} : memref<40x256xf32, #tpu.memory_space<vmem>>, vector<1x16xf32>,
          %get3A_275 = vector.shape_cast %get3A_274 : vector<1x16xf32> to vector<16xf32>
          %mul3A_276 = arith.mulf %select_n3A_236, %get3A_11 : vector<16xf32>
          %add3A_277 = arith.addf %get3A_275, %mul3A_276 : vector<16xf32>
          %swap3A_278 = arith.index_cast %rem3A_194 : i32 to index
          %swap3A_279 = arith.index_cast %scan3A_220 : i32 to index
          %swap3A_280 = arith.constant 48 : index
          %swap3A_281 = tpu.vector_load %arg11[%swap3A_278, %swap3A_279, %swap3A_280] {strides = array<i32>} : memref<2x40x256xf32, #tpu.memory_space<vmem>>, vector<1x1x16xf32>,
          %swap3A_282 = vector.shape_cast %swap3A_281 : vector<1x1x16xf32> to vector<16xf32>
          %swap3A_283 = vector.shape_cast %add3A_277 : vector<16xf32> to vector<1x1x16xf32>
          tpu.vector_store %arg11[%swap3A_278, %swap3A_279, %swap3A_280], %swap3A_283 {strides = array<i32>} : memref<2x40x256xf32, #tpu.memory_space<vmem>>, vector<1x1x16xf32>,
          %get3A_284 = arith.index_cast %scan3A_220 : i32 to index
          %get3A_285 = arith.constant 64 : index
          %get3A_286 = tpu.vector_load %arg7[%get3A_284, %get3A_285] {strides = array<i32>} : memref<40x256xf32, #tpu.memory_space<vmem>>, vector<1x16xf32>,
          %get3A_287 = vector.shape_cast %get3A_286 : vector<1x16xf32> to vector<16xf32>
          %mul3A_288 = arith.mulf %select_n3A_236, %get3A_14 : vector<16xf32>
          %add3A_289 = arith.addf %get3A_287, %mul3A_288 : vector<16xf32>
          %swap3A_290 = arith.index_cast %rem3A_194 : i32 to index
          %swap3A_291 = arith.index_cast %scan3A_220 : i32 to index
          %swap3A_292 = arith.constant 64 : index
          %swap3A_293 = tpu.vector_load %arg11[%swap3A_290, %swap3A_291, %swap3A_292] {strides = array<i32>} : memref<2x40x256xf32, #tpu.memory_space<vmem>>, vector<1x1x16xf32>,
          %swap3A_294 = vector.shape_cast %swap3A_293 : vector<1x1x16xf32> to vector<16xf32>
          %swap3A_295 = vector.shape_cast %add3A_289 : vector<16xf32> to vector<1x1x16xf32>
          tpu.vector_store %arg11[%swap3A_290, %swap3A_291, %swap3A_292], %swap3A_295 {strides = array<i32>} : memref<2x40x256xf32, #tpu.memory_space<vmem>>, vector<1x1x16xf32>,
          %get3A_296 = arith.index_cast %scan3A_220 : i32 to index
          %get3A_297 = arith.constant 80 : index
          %get3A_298 = tpu.vector_load %arg7[%get3A_296, %get3A_297] {strides = array<i32>} : memref<40x256xf32, #tpu.memory_space<vmem>>, vector<1x16xf32>,
          %get3A_299 = vector.shape_cast %get3A_298 : vector<1x16xf32> to vector<16xf32>
          %mul3A_300 = arith.mulf %select_n3A_236, %get3A_17 : vector<16xf32>
          %add3A_301 = arith.addf %get3A_299, %mul3A_300 : vector<16xf32>
          %swap3A_302 = arith.index_cast %rem3A_194 : i32 to index
          %swap3A_303 = arith.index_cast %scan3A_220 : i32 to index
          %swap3A_304 = arith.constant 80 : index
          %swap3A_305 = tpu.vector_load %arg11[%swap3A_302, %swap3A_303, %swap3A_304] {strides = array<i32>} : memref<2x40x256xf32, #tpu.memory_space<vmem>>, vector<1x1x16xf32>,
          %swap3A_306 = vector.shape_cast %swap3A_305 : vector<1x1x16xf32> to vector<16xf32>
          %swap3A_307 = vector.shape_cast %add3A_301 : vector<16xf32> to vector<1x1x16xf32>
          tpu.vector_store %arg11[%swap3A_302, %swap3A_303, %swap3A_304], %swap3A_307 {strides = array<i32>} : memref<2x40x256xf32, #tpu.memory_space<vmem>>, vector<1x1x16xf32>,
          %get3A_308 = arith.index_cast %scan3A_220 : i32 to index
          %get3A_309 = arith.constant 96 : index
          %get3A_310 = tpu.vector_load %arg7[%get3A_308, %get3A_309] {strides = array<i32>} : memref<40x256xf32, #tpu.memory_space<vmem>>, vector<1x16xf32>,
          %get3A_311 = vector.shape_cast %get3A_310 : vector<1x16xf32> to vector<16xf32>
          %mul3A_312 = arith.mulf %select_n3A_236, %get3A_20 : vector<16xf32>
          %add3A_313 = arith.addf %get3A_311, %mul3A_312 : vector<16xf32>
          %swap3A_314 = arith.index_cast %rem3A_194 : i32 to index
          %swap3A_315 = arith.index_cast %scan3A_220 : i32 to index
          %swap3A_316 = arith.constant 96 : index
          %swap3A_317 = tpu.vector_load %arg11[%swap3A_314, %swap3A_315, %swap3A_316] {strides = array<i32>} : memref<2x40x256xf32, #tpu.memory_space<vmem>>, vector<1x1x16xf32>,
          %swap3A_318 = vector.shape_cast %swap3A_317 : vector<1x1x16xf32> to vector<16xf32>
          %swap3A_319 = vector.shape_cast %add3A_313 : vector<16xf32> to vector<1x1x16xf32>
          tpu.vector_store %arg11[%swap3A_314, %swap3A_315, %swap3A_316], %swap3A_319 {strides = array<i32>} : memref<2x40x256xf32, #tpu.memory_space<vmem>>, vector<1x1x16xf32>,
          %get3A_320 = arith.index_cast %scan3A_220 : i32 to index
          %get3A_321 = arith.constant 112 : index
          %get3A_322 = tpu.vector_load %arg7[%get3A_320, %get3A_321] {strides = array<i32>} : memref<40x256xf32, #tpu.memory_space<vmem>>, vector<1x16xf32>,
          %get3A_323 = vector.shape_cast %get3A_322 : vector<1x16xf32> to vector<16xf32>
          %mul3A_324 = arith.mulf %select_n3A_236, %get3A_23 : vector<16xf32>
          %add3A_325 = arith.addf %get3A_323, %mul3A_324 : vector<16xf32>
          %swap3A_326 = arith.index_cast %rem3A_194 : i32 to index
          %swap3A_327 = arith.index_cast %scan3A_220 : i32 to index
          %swap3A_328 = arith.constant 112 : index
          %swap3A_329 = tpu.vector_load %arg11[%swap3A_326, %swap3A_327, %swap3A_328] {strides = array<i32>} : memref<2x40x256xf32, #tpu.memory_space<vmem>>, vector<1x1x16xf32>,
          %swap3A_330 = vector.shape_cast %swap3A_329 : vector<1x1x16xf32> to vector<16xf32>
          %swap3A_331 = vector.shape_cast %add3A_325 : vector<16xf32> to vector<1x1x16xf32>
          tpu.vector_store %arg11[%swap3A_326, %swap3A_327, %swap3A_328], %swap3A_331 {strides = array<i32>} : memref<2x40x256xf32, #tpu.memory_space<vmem>>, vector<1x1x16xf32>,
          %get3A_332 = arith.index_cast %scan3A_220 : i32 to index
          %get3A_333 = arith.constant 128 : index
          %get3A_334 = tpu.vector_load %arg7[%get3A_332, %get3A_333] {strides = array<i32>} : memref<40x256xf32, #tpu.memory_space<vmem>>, vector<1x16xf32>,
          %get3A_335 = vector.shape_cast %get3A_334 : vector<1x16xf32> to vector<16xf32>
          %mul3A_336 = arith.mulf %select_n3A_236, %get3A_26 : vector<16xf32>
          %add3A_337 = arith.addf %get3A_335, %mul3A_336 : vector<16xf32>
          %swap3A_338 = arith.index_cast %rem3A_194 : i32 to index
          %swap3A_339 = arith.index_cast %scan3A_220 : i32 to index
          %swap3A_340 = arith.constant 128 : index
          %swap3A_341 = tpu.vector_load %arg11[%swap3A_338, %swap3A_339, %swap3A_340] {strides = array<i32>} : memref<2x40x256xf32, #tpu.memory_space<vmem>>, vector<1x1x16xf32>,
          %swap3A_342 = vector.shape_cast %swap3A_341 : vector<1x1x16xf32> to vector<16xf32>
          %swap3A_343 = vector.shape_cast %add3A_337 : vector<16xf32> to vector<1x1x16xf32>
          tpu.vector_store %arg11[%swap3A_338, %swap3A_339, %swap3A_340], %swap3A_343 {strides = array<i32>} : memref<2x40x256xf32, #tpu.memory_space<vmem>>, vector<1x1x16xf32>,
          %get3A_344 = arith.index_cast %scan3A_220 : i32 to index
          %get3A_345 = arith.constant 144 : index
          %get3A_346 = tpu.vector_load %arg7[%get3A_344, %get3A_345] {strides = array<i32>} : memref<40x256xf32, #tpu.memory_space<vmem>>, vector<1x16xf32>,
          %get3A_347 = vector.shape_cast %get3A_346 : vector<1x16xf32> to vector<16xf32>
          %mul3A_348 = arith.mulf %select_n3A_236, %get3A_29 : vector<16xf32>
          %add3A_349 = arith.addf %get3A_347, %mul3A_348 : vector<16xf32>
          %swap3A_350 = arith.index_cast %rem3A_194 : i32 to index
          %swap3A_351 = arith.index_cast %scan3A_220 : i32 to index
          %swap3A_352 = arith.constant 144 : index
          %swap3A_353 = tpu.vector_load %arg11[%swap3A_350, %swap3A_351, %swap3A_352] {strides = array<i32>} : memref<2x40x256xf32, #tpu.memory_space<vmem>>, vector<1x1x16xf32>,
          %swap3A_354 = vector.shape_cast %swap3A_353 : vector<1x1x16xf32> to vector<16xf32>
          %swap3A_355 = vector.shape_cast %add3A_349 : vector<16xf32> to vector<1x1x16xf32>
          tpu.vector_store %arg11[%swap3A_350, %swap3A_351, %swap3A_352], %swap3A_355 {strides = array<i32>} : memref<2x40x256xf32, #tpu.memory_space<vmem>>, vector<1x1x16xf32>,
          %get3A_356 = arith.index_cast %scan3A_220 : i32 to index
          %get3A_357 = arith.constant 160 : index
          %get3A_358 = tpu.vector_load %arg7[%get3A_356, %get3A_357] {strides = array<i32>} : memref<40x256xf32, #tpu.memory_space<vmem>>, vector<1x16xf32>,
          %get3A_359 = vector.shape_cast %get3A_358 : vector<1x16xf32> to vector<16xf32>
          %mul3A_360 = arith.mulf %select_n3A_236, %get3A_32 : vector<16xf32>
          %add3A_361 = arith.addf %get3A_359, %mul3A_360 : vector<16xf32>
          %swap3A_362 = arith.index_cast %rem3A_194 : i32 to index
          %swap3A_363 = arith.index_cast %scan3A_220 : i32 to index
          %swap3A_364 = arith.constant 160 : index
          %swap3A_365 = tpu.vector_load %arg11[%swap3A_362, %swap3A_363, %swap3A_364] {strides = array<i32>} : memref<2x40x256xf32, #tpu.memory_space<vmem>>, vector<1x1x16xf32>,
          %swap3A_366 = vector.shape_cast %swap3A_365 : vector<1x1x16xf32> to vector<16xf32>
          %swap3A_367 = vector.shape_cast %add3A_361 : vector<16xf32> to vector<1x1x16xf32>
          tpu.vector_store %arg11[%swap3A_362, %swap3A_363, %swap3A_364], %swap3A_367 {strides = array<i32>} : memref<2x40x256xf32, #tpu.memory_space<vmem>>, vector<1x1x16xf32>,
          %get3A_368 = arith.index_cast %scan3A_220 : i32 to index
          %get3A_369 = arith.constant 176 : index
          %get3A_370 = tpu.vector_load %arg7[%get3A_368, %get3A_369] {strides = array<i32>} : memref<40x256xf32, #tpu.memory_space<vmem>>, vector<1x16xf32>,
          %get3A_371 = vector.shape_cast %get3A_370 : vector<1x16xf32> to vector<16xf32>
          %mul3A_372 = arith.mulf %select_n3A_236, %get3A_35 : vector<16xf32>
          %add3A_373 = arith.addf %get3A_371, %mul3A_372 : vector<16xf32>
          %swap3A_374 = arith.index_cast %rem3A_194 : i32 to index
          %swap3A_375 = arith.index_cast %scan3A_220 : i32 to index
          %swap3A_376 = arith.constant 176 : index
          %swap3A_377 = tpu.vector_load %arg11[%swap3A_374, %swap3A_375, %swap3A_376] {strides = array<i32>} : memref<2x40x256xf32, #tpu.memory_space<vmem>>, vector<1x1x16xf32>,
          %swap3A_378 = vector.shape_cast %swap3A_377 : vector<1x1x16xf32> to vector<16xf32>
          %swap3A_379 = vector.shape_cast %add3A_373 : vector<16xf32> to vector<1x1x16xf32>
          tpu.vector_store %arg11[%swap3A_374, %swap3A_375, %swap3A_376], %swap3A_379 {strides = array<i32>} : memref<2x40x256xf32, #tpu.memory_space<vmem>>, vector<1x1x16xf32>,
          %get3A_380 = arith.index_cast %scan3A_220 : i32 to index
          %get3A_381 = arith.constant 192 : index
          %get3A_382 = tpu.vector_load %arg7[%get3A_380, %get3A_381] {strides = array<i32>} : memref<40x256xf32, #tpu.memory_space<vmem>>, vector<1x16xf32>,
          %get3A_383 = vector.shape_cast %get3A_382 : vector<1x16xf32> to vector<16xf32>
          %mul3A_384 = arith.mulf %select_n3A_236, %get3A_38 : vector<16xf32>
          %add3A_385 = arith.addf %get3A_383, %mul3A_384 : vector<16xf32>
          %swap3A_386 = arith.index_cast %rem3A_194 : i32 to index
          %swap3A_387 = arith.index_cast %scan3A_220 : i32 to index
          %swap3A_388 = arith.constant 192 : index
          %swap3A_389 = tpu.vector_load %arg11[%swap3A_386, %swap3A_387, %swap3A_388] {strides = array<i32>} : memref<2x40x256xf32, #tpu.memory_space<vmem>>, vector<1x1x16xf32>,
          %swap3A_390 = vector.shape_cast %swap3A_389 : vector<1x1x16xf32> to vector<16xf32>
          %swap3A_391 = vector.shape_cast %add3A_385 : vector<16xf32> to vector<1x1x16xf32>
          tpu.vector_store %arg11[%swap3A_386, %swap3A_387, %swap3A_388], %swap3A_391 {strides = array<i32>} : memref<2x40x256xf32, #tpu.memory_space<vmem>>, vector<1x1x16xf32>,
          %get3A_392 = arith.index_cast %scan3A_220 : i32 to index
          %get3A_393 = arith.constant 208 : index
          %get3A_394 = tpu.vector_load %arg7[%get3A_392, %get3A_393] {strides = array<i32>} : memref<40x256xf32, #tpu.memory_space<vmem>>, vector<1x16xf32>,
          %get3A_395 = vector.shape_cast %get3A_394 : vector<1x16xf32> to vector<16xf32>
          %mul3A_396 = arith.mulf %select_n3A_236, %get3A_41 : vector<16xf32>
          %add3A_397 = arith.addf %get3A_395, %mul3A_396 : vector<16xf32>
          %swap3A_398 = arith.index_cast %rem3A_194 : i32 to index
          %swap3A_399 = arith.index_cast %scan3A_220 : i32 to index
          %swap3A_400 = arith.constant 208 : index
          %swap3A_401 = tpu.vector_load %arg11[%swap3A_398, %swap3A_399, %swap3A_400] {strides = array<i32>} : memref<2x40x256xf32, #tpu.memory_space<vmem>>, vector<1x1x16xf32>,
          %swap3A_402 = vector.shape_cast %swap3A_401 : vector<1x1x16xf32> to vector<16xf32>
          %swap3A_403 = vector.shape_cast %add3A_397 : vector<16xf32> to vector<1x1x16xf32>
          tpu.vector_store %arg11[%swap3A_398, %swap3A_399, %swap3A_400], %swap3A_403 {strides = array<i32>} : memref<2x40x256xf32, #tpu.memory_space<vmem>>, vector<1x1x16xf32>,
          %get3A_404 = arith.index_cast %scan3A_220 : i32 to index
          %get3A_405 = arith.constant 224 : index
          %get3A_406 = tpu.vector_load %arg7[%get3A_404, %get3A_405] {strides = array<i32>} : memref<40x256xf32, #tpu.memory_space<vmem>>, vector<1x16xf32>,
          %get3A_407 = vector.shape_cast %get3A_406 : vector<1x16xf32> to vector<16xf32>
          %mul3A_408 = arith.mulf %select_n3A_236, %get3A_44 : vector<16xf32>
          %add3A_409 = arith.addf %get3A_407, %mul3A_408 : vector<16xf32>
          %swap3A_410 = arith.index_cast %rem3A_194 : i32 to index
          %swap3A_411 = arith.index_cast %scan3A_220 : i32 to index
          %swap3A_412 = arith.constant 224 : index
          %swap3A_413 = tpu.vector_load %arg11[%swap3A_410, %swap3A_411, %swap3A_412] {strides = array<i32>} : memref<2x40x256xf32, #tpu.memory_space<vmem>>, vector<1x1x16xf32>,
          %swap3A_414 = vector.shape_cast %swap3A_413 : vector<1x1x16xf32> to vector<16xf32>
          %swap3A_415 = vector.shape_cast %add3A_409 : vector<16xf32> to vector<1x1x16xf32>
          tpu.vector_store %arg11[%swap3A_410, %swap3A_411, %swap3A_412], %swap3A_415 {strides = array<i32>} : memref<2x40x256xf32, #tpu.memory_space<vmem>>, vector<1x1x16xf32>,
          %get3A_416 = arith.index_cast %scan3A_220 : i32 to index
          %get3A_417 = arith.constant 240 : index
          %get3A_418 = tpu.vector_load %arg7[%get3A_416, %get3A_417] {strides = array<i32>} : memref<40x256xf32, #tpu.memory_space<vmem>>, vector<1x16xf32>,
          %get3A_419 = vector.shape_cast %get3A_418 : vector<1x16xf32> to vector<16xf32>
          %mul3A_420 = arith.mulf %select_n3A_236, %get3A_47 : vector<16xf32>
          %add3A_421 = arith.addf %get3A_419, %mul3A_420 : vector<16xf32>
          %swap3A_422 = arith.index_cast %rem3A_194 : i32 to index
          %swap3A_423 = arith.index_cast %scan3A_220 : i32 to index
          %swap3A_424 = arith.constant 240 : index
          %swap3A_425 = tpu.vector_load %arg11[%swap3A_422, %swap3A_423, %swap3A_424] {strides = array<i32>} : memref<2x40x256xf32, #tpu.memory_space<vmem>>, vector<1x1x16xf32>,
          %swap3A_426 = vector.shape_cast %swap3A_425 : vector<1x1x16xf32> to vector<16xf32>
          %swap3A_427 = vector.shape_cast %add3A_421 : vector<16xf32> to vector<1x1x16xf32>
          tpu.vector_store %arg11[%swap3A_422, %swap3A_423, %swap3A_424], %swap3A_427 {strides = array<i32>} : memref<2x40x256xf32, #tpu.memory_space<vmem>>, vector<1x1x16xf32>,
          %scan3A_428 = arith.constant 0 : i32
          scf.yield %scan3A_428 : i32
        }
        %scan3A_203 = arith.constant 40 : i32
        %dma_start3A = arith.constant 0 : i32
        %dma_start3A_204 = arith.constant 0 : i32
        %dma_start3A_205 = tpu.memref_slice %arg11[%rem3A_194, %dma_start3A, %dma_start3A_204] : memref<2x40x256xf32, #tpu.memory_space<vmem>> -> memref<1x40x256xf32, #tpu.memory_space<vmem>>
        %dma_start3A_206 = tpu.memref_squeeze %dma_start3A_205 : memref<1x40x256xf32, #tpu.memory_space<vmem>> -> memref<40x256xf32, #tpu.memory_space<vmem>>
        %dma_start3A_207 = arith.constant 0 : i32
        %dma_start3A_208 = tpu.memref_slice %arg6[%scan3A_191, %mul3A_135, %dma_start3A_207] : memref<32x5000x256xf32, #tpu.memory_space<hbm>> -> memref<1x40x256xf32, #tpu.memory_space<hbm>>
        %dma_start3A_209 = tpu.memref_squeeze %dma_start3A_208 : memref<1x40x256xf32, #tpu.memory_space<hbm>> -> memref<40x256xf32, #tpu.memory_space<hbm>>
        %dma_start3A_210 = tpu.memref_slice %arg12[%rem3A_194] : memref<2x!tpu.dma_semaphore, #tpu.memory_space<semaphore_mem>> -> memref<1x!tpu.dma_semaphore, #tpu.memory_space<semaphore_mem>>
        %dma_start3A_211 = tpu.memref_squeeze %dma_start3A_210 : memref<1x!tpu.dma_semaphore, #tpu.memory_space<semaphore_mem>> -> memref<!tpu.dma_semaphore, #tpu.memory_space<semaphore_mem>>
        %dma_start3A_212 = arith.constant 0 : i32
        %dma_start3A_213 = tpu.memref_slice %arg6[%scan3A_191, %mul3A_135, %dma_start3A_212] : memref<32x5000x256xf32, #tpu.memory_space<hbm>> -> memref<1x40x256xf32, #tpu.memory_space<hbm>>
        %dma_start3A_214 = tpu.memref_squeeze %dma_start3A_213 : memref<1x40x256xf32, #tpu.memory_space<hbm>> -> memref<40x256xf32, #tpu.memory_space<hbm>>
        %dma_start3A_215 = arith.constant 0 : i32
        %dma_start3A_216 = arith.constant 0 : i32
        %dma_start3A_217 = tpu.memref_slice %arg11[%rem3A_194, %dma_start3A_215, %dma_start3A_216] : memref<2x40x256xf32, #tpu.memory_space<vmem>> -> memref<1x40x256xf32, #tpu.memory_space<vmem>>
        %dma_start3A_218 = tpu.memref_squeeze %dma_start3A_217 : memref<1x40x256xf32, #tpu.memory_space<vmem>> -> memref<40x256xf32, #tpu.memory_space<vmem>>
        tpu.enqueue_dma source(%dma_start3A_218 : memref<40x256xf32, #tpu.memory_space<vmem>>) target(%dma_start3A_214 : memref<40x256xf32, #tpu.memory_space<hbm>>) target_semaphore(%dma_start3A_211 : memref<!tpu.dma_semaphore, #tpu.memory_space<semaphore_mem>>)
        %scan3A_219 = arith.constant 0 : i32
        scf.yield %scan3A_219 : i32
      }
      %scan3A_148 = arith.constant 32 : i32
      %dma_wait3A = arith.constant 0 : i32
      %dma_wait3A_149 = arith.constant 0 : i32
      %dma_wait3A_150 = arith.constant 0 : i32
      %dma_wait3A_151 = arith.constant 0 : i32
      %dma_wait3A_152 = arith.constant 0 : i32
      %dma_wait3A_153 = tpu.memref_slice %arg11[%dma_wait3A, %dma_wait3A_151, %dma_wait3A_152] : memref<2x40x256xf32, #tpu.memory_space<vmem>> -> memref<1x40x256xf32, #tpu.memory_space<vmem>>
      %dma_wait3A_154 = tpu.memref_squeeze %dma_wait3A_153 : memref<1x40x256xf32, #tpu.memory_space<vmem>> -> memref<40x256xf32, #tpu.memory_space<vmem>>
      %dma_wait3A_155 = arith.constant 0 : i32
      %dma_wait3A_156 = arith.constant 0 : i32
      %dma_wait3A_157 = tpu.memref_slice %arg6[%dma_wait3A_149, %dma_wait3A_155, %dma_wait3A_156] : memref<32x5000x256xf32, #tpu.memory_space<hbm>> -> memref<1x40x256xf32, #tpu.memory_space<hbm>>
      %dma_wait3A_158 = tpu.memref_squeeze %dma_wait3A_157 : memref<1x40x256xf32, #tpu.memory_space<hbm>> -> memref<40x256xf32, #tpu.memory_space<hbm>>
      %dma_wait3A_159 = tpu.memref_slice %arg12[%dma_wait3A_150] : memref<2x!tpu.dma_semaphore, #tpu.memory_space<semaphore_mem>> -> memref<1x!tpu.dma_semaphore, #tpu.memory_space<semaphore_mem>>
      %dma_wait3A_160 = tpu.memref_squeeze %dma_wait3A_159 : memref<1x!tpu.dma_semaphore, #tpu.memory_space<semaphore_mem>> -> memref<!tpu.dma_semaphore, #tpu.memory_space<semaphore_mem>>
      %dma_wait3A_161 = arith.constant 0 : i32
      %dma_wait3A_162 = arith.constant 0 : i32
      %dma_wait3A_163 = tpu.memref_slice %arg6[%dma_wait3A_149, %dma_wait3A_161, %dma_wait3A_162] : memref<32x5000x256xf32, #tpu.memory_space<hbm>> -> memref<1x40x256xf32, #tpu.memory_space<hbm>>
      %dma_wait3A_164 = tpu.memref_squeeze %dma_wait3A_163 : memref<1x40x256xf32, #tpu.memory_space<hbm>> -> memref<40x256xf32, #tpu.memory_space<hbm>>
      %dma_wait3A_165 = arith.constant 0 : i32
      %dma_wait3A_166 = arith.constant 0 : i32
      %dma_wait3A_167 = tpu.memref_slice %arg11[%dma_wait3A, %dma_wait3A_165, %dma_wait3A_166] : memref<2x40x256xf32, #tpu.memory_space<vmem>> -> memref<1x40x256xf32, #tpu.memory_space<vmem>>
      %dma_wait3A_168 = tpu.memref_squeeze %dma_wait3A_167 : memref<1x40x256xf32, #tpu.memory_space<vmem>> -> memref<40x256xf32, #tpu.memory_space<vmem>>
      tpu.wait_dma2 semaphore(%dma_wait3A_160 : memref<!tpu.dma_semaphore, #tpu.memory_space<semaphore_mem>>) src(%dma_wait3A_168 : memref<40x256xf32, #tpu.memory_space<vmem>>) dst(%dma_wait3A_164 : memref<40x256xf32, #tpu.memory_space<hbm>>)
      %dma_wait3A_169 = arith.constant 1 : i32
      %dma_wait3A_170 = arith.constant 0 : i32
      %dma_wait3A_171 = arith.constant 1 : i32
      %dma_wait3A_172 = arith.constant 0 : i32
      %dma_wait3A_173 = arith.constant 0 : i32
      %dma_wait3A_174 = tpu.memref_slice %arg11[%dma_wait3A_169, %dma_wait3A_172, %dma_wait3A_173] : memref<2x40x256xf32, #tpu.memory_space<vmem>> -> memref<1x40x256xf32, #tpu.memory_space<vmem>>
      %dma_wait3A_175 = tpu.memref_squeeze %dma_wait3A_174 : memref<1x40x256xf32, #tpu.memory_space<vmem>> -> memref<40x256xf32, #tpu.memory_space<vmem>>
      %dma_wait3A_176 = arith.constant 0 : i32
      %dma_wait3A_177 = arith.constant 0 : i32
      %dma_wait3A_178 = tpu.memref_slice %arg6[%dma_wait3A_170, %dma_wait3A_176, %dma_wait3A_177] : memref<32x5000x256xf32, #tpu.memory_space<hbm>> -> memref<1x40x256xf32, #tpu.memory_space<hbm>>
      %dma_wait3A_179 = tpu.memref_squeeze %dma_wait3A_178 : memref<1x40x256xf32, #tpu.memory_space<hbm>> -> memref<40x256xf32, #tpu.memory_space<hbm>>
      %dma_wait3A_180 = tpu.memref_slice %arg12[%dma_wait3A_171] : memref<2x!tpu.dma_semaphore, #tpu.memory_space<semaphore_mem>> -> memref<1x!tpu.dma_semaphore, #tpu.memory_space<semaphore_mem>>
      %dma_wait3A_181 = tpu.memref_squeeze %dma_wait3A_180 : memref<1x!tpu.dma_semaphore, #tpu.memory_space<semaphore_mem>> -> memref<!tpu.dma_semaphore, #tpu.memory_space<semaphore_mem>>
      %dma_wait3A_182 = arith.constant 0 : i32
      %dma_wait3A_183 = arith.constant 0 : i32
      %dma_wait3A_184 = tpu.memref_slice %arg6[%dma_wait3A_170, %dma_wait3A_182, %dma_wait3A_183] : memref<32x5000x256xf32, #tpu.memory_space<hbm>> -> memref<1x40x256xf32, #tpu.memory_space<hbm>>
      %dma_wait3A_185 = tpu.memref_squeeze %dma_wait3A_184 : memref<1x40x256xf32, #tpu.memory_space<hbm>> -> memref<40x256xf32, #tpu.memory_space<hbm>>
      %dma_wait3A_186 = arith.constant 0 : i32
      %dma_wait3A_187 = arith.constant 0 : i32
      %dma_wait3A_188 = tpu.memref_slice %arg11[%dma_wait3A_169, %dma_wait3A_186, %dma_wait3A_187] : memref<2x40x256xf32, #tpu.memory_space<vmem>> -> memref<1x40x256xf32, #tpu.memory_space<vmem>>
      %dma_wait3A_189 = tpu.memref_squeeze %dma_wait3A_188 : memref<1x40x256xf32, #tpu.memory_space<vmem>> -> memref<40x256xf32, #tpu.memory_space<vmem>>
      tpu.wait_dma2 semaphore(%dma_wait3A_181 : memref<!tpu.dma_semaphore, #tpu.memory_space<semaphore_mem>>) src(%dma_wait3A_189 : memref<40x256xf32, #tpu.memory_space<vmem>>) dst(%dma_wait3A_185 : memref<40x256xf32, #tpu.memory_space<hbm>>)
      %while3A_190 = arith.constant 0 : i32
      scf.yield %while3A_190 : i32
    }
    return
  }
}

</mosaic_0001>

<sc_bundles>
// kernel: kernel.3.cloned.1.call-start
scs
__scs_entry_jumppad:
0x0: {  	(pc) =	sbr.rel $0x88, $3  }
0x1: {  	(tag) =	ssettag $0x0;
	lr =	simm.s32 $0x1  }
0x2: {  	[smem:$0x3F9D] =	sst lr;
	_ =	strace $0xD0000000  }
0x3: {  	_ = 	snop  }
0x4: {  	_ = 	snop  }
0x5: {  	_ = 	snop  }
0x6: {  	_ = 	snop  }
0x7: {  	_ = 	snop  }
__scs_overlays_trampoline_lowered:
0x8: {  	[smem:$0x3FAC] =	sst s0  }
0x9: {  	[smem:$0x3FAD] =	sst s1  }
0xa: {  	[smem:$0x3FAE] =	sst s2  }
0xb: {  	[smem:$0x3FAF] =	sst s3  }
0xc: {  	[smem:$0x3FB0] =	sst s4  }
0xd: {  	[smem:$0x3FB1] =	sst s5  }
0xe: {  	[smem:$0x3FB2] =	sst s6  }
0xf: {  	[smem:$0x3FB3] =	sst s7  }
0x10: {  	[smem:$0x3FB4] =	sst s8  }
0x11: {  	[smem:$0x3FB5] =	sst s9;
	s0 =	simm.s32 @!p0 $0x0  }
0x12: {  	s1 =	sld [smem:$0x3F9B];
	s0 =	simm.s32 @p0 $0x1  }
0x13: {  	[smem:$0x3FB6] =	sst s0;
	s0 =	simm.s32 @!p1 $0x0  }
0x14: {  	s2 =	sld [smem:$0x3F9A];
	s0 =	simm.s32 @p1 $0x1  }
0x15: {  	[smem:$0x3FB7] =	sst s0;
	s0 =	simm.s32 @!p2 $0x0  }
0x16: {  	s3 =	sld [smem:$0x3FDB];
	s0 =	simm.s32 @p2 $0x1  }
0x17: {  	s4 =	simm.s32 $0x1BF5;
	[smem:$0x3FB9] =	sst s0  }
0x18: {  	s0 =	sld [smem:$0x3F9C];
	_ =	swait.ge [sflag:s4], $0x0  }
0x19: {  	s7 =	sld [smem:$0x3F9D]  }
0x1a: {  	s8 =	sadd.s32 $0xFFFFE003, lr  }
0x1b: {  	s9 =	sadd.s32 $0xFFFFFEF7, lr;
	s5 =	simm.s32 $0xFFFFFFFF;
	p2 =	slt.u32 s8, $0xFFFFF086  }
0x1c: {  	p1 =	slt.u32 s9, $0xF7A;
	s5 =	simm.s32 @!p2 $0x0  }
0x1d: {  	s5 =	simm.s32 @p1 $0x1;
	p0 =	seq.s32 s7, s2  }
0x1e: {  	s7 =	smul.u32 @!p0 $0xF7A, s2;
	p2 =	seq.s32 @!p0 s5, $0x0  }
0x1f: {  	s9 =	smul.u32 $0xF7A, s1;
	s8 =	simm.s32 @!p0 $0x1BF5;
	p2 =	por !p2, p0  }
0x20: {  	[sflag:s8] =	ssyncset.s32 @!p0 $0xFFFFF086;
	s6 =	sadd.s32 @!p0 s3, s7;
	s7 =	simm.s32 @!p0 $0x108  }
0x21: {  	s3 =	sadd.s32 s3, s9;
	s6 =	sadd.s32 @!p0 $0x88, s6;
	s7 =	simm.s32 @p2 $0x1082  }
0x22: {  	[simem:s7], [sflag:s8] =	dma.local @!p0 [hbm:s6], $0xF7A  }
0x23: {  	s9 =	sor.u32 $0xD0000000, s2;
	s6 =	simm.s32 $0x108;
	_ =	swait.ge @!p0 [sflag:s8], $0x0  }
0x24: {  	s3 =	sadd.s32 $0x88, s3;
	s6 =	simm.s32 @!p1 $0x1082;
	[sflag:s4] =	ssyncset.s32 $0xFFFFF086  }
0x25: {  	[simem:s6], [sflag:s4] =	dma.local [hbm:s3], $0xF7A  }
0x26: {  	[smem:$0x3F9D] =	sst s1;
	(tag) =	ssettag s2;
	_ =	strace s9  }
0x27: {  	s1 =	sld [smem:$0x3FAD]  }
0x28: {  	s2 =	sld [smem:$0x3FAE]  }
0x29: {  	s4 =	sld [smem:$0x3FB0]  }
0x2a: {  	p0 =	seq.s32 s5, $0x0;
	s5 =	sld [smem:$0x3FB1]  }
0x2b: {  	s6 =	sld [smem:$0x3FB2]  }
0x2c: {  	s7 =	sld [smem:$0x3FB3]  }
0x2d: {  	s3 =	simm.s32 $0x108;
	s8 =	sld [smem:$0x3FB4]  }
0x2e: {  	s3 =	simm.s32 @!p0 $0x1082;
	s9 =	sld [smem:$0x3FB5]  }
0x2f: {  	lr =	sadd.s32 s0, s3;
	s0 =	sld [smem:$0x3FAC]  }
0x30: {  	s3 =	sld [smem:$0x3FAF]  }
0x31: {  	[smem:$0x3FB8] =	sst s10  }
0x32: {  	s10 =	sld [smem:$0x3FB6];
	_ =	sdelay $0x3  }
0x33: {  	p0 =	seq.s32 s10, $0x1;
	s10 =	sld [smem:$0x3FB8];
	_ =	sdelay $0x3  }
0x34: {  	[smem:$0x3FB8] =	sst s10  }
0x35: {  	s10 =	sld [smem:$0x3FB7];
	_ =	sdelay $0x3  }
0x36: {  	p1 =	seq.s32 s10, $0x1;
	s10 =	sld [smem:$0x3FB8];
	_ =	sdelay $0x3  }
0x37: {  	[smem:$0x3FB8] =	sst s10  }
0x38: {  	s10 =	sld [smem:$0x3FB9]  }
0x39: {  	_ = 	snop;
	(pc) =	sbr.ind lr, $3  }
0x3a: {  	_ = 	snop  }
0x3b: {  	_ = 	snop  }
0x3c: {  	p2 =	seq.s32 s10, $0x1;
	s10 =	sld [smem:$0x3FB8]  }
0x3d: {  	_ =	shalt  }
0x3e: {  	_ =	shalt  }
0x3f: {  	_ =	shalt  }
0x40: {  	_ =	shalt  }
0x41: {  	_ =	shalt  }
0x42: {  	_ =	shalt  }
0x43: {  	_ =	shalt  }
0x44: {  	_ =	shalt  }
0x45: {  	_ =	shalt  }
0x46: {  	_ =	shalt  }
0x47: {  	_ =	shalt  }
0x48: {  	_ =	shalt  }
0x49: {  	_ =	shalt  }
0x4a: {  	_ =	shalt  }
0x4b: {  	_ =	shalt  }
0x4c: {  	_ =	shalt  }
0x4d: {  	_ =	shalt  }
0x4e: {  	_ =	shalt  }
0x4f: {  	_ =	shalt  }
0x50: {  	_ =	shalt  }
0x51: {  	_ =	shalt  }
0x52: {  	_ =	shalt  }
0x53: {  	_ =	shalt  }
0x54: {  	_ =	shalt  }
0x55: {  	_ =	shalt  }
0x56: {  	_ =	shalt  }
0x57: {  	_ =	shalt  }
0x58: {  	_ =	shalt  }
0x59: {  	_ =	shalt  }
0x5a: {  	_ =	shalt  }
0x5b: {  	_ =	shalt  }
0x5c: {  	_ =	shalt  }
0x5d: {  	_ =	shalt  }
0x5e: {  	_ =	shalt  }
0x5f: {  	_ =	shalt  }
0x60: {  	_ =	shalt  }
0x61: {  	_ =	shalt  }
0x62: {  	_ =	shalt  }
0x63: {  	_ =	shalt  }
0x64: {  	_ =	shalt  }
0x65: {  	_ =	shalt  }
0x66: {  	_ =	shalt  }
0x67: {  	_ =	shalt  }
0x68: {  	_ =	shalt  }
0x69: {  	_ =	shalt  }
0x6a: {  	_ =	shalt  }
0x6b: {  	_ =	shalt  }
0x6c: {  	_ =	shalt  }
0x6d: {  	_ =	shalt  }
0x6e: {  	_ =	shalt  }
0x6f: {  	_ =	shalt  }
0x70: {  	_ =	shalt  }
0x71: {  	_ =	shalt  }
0x72: {  	_ =	shalt  }
0x73: {  	_ =	shalt  }
0x74: {  	_ =	shalt  }
0x75: {  	_ =	shalt  }
0x76: {  	_ =	shalt  }
0x77: {  	_ =	shalt  }
0x78: {  	_ =	shalt  }
0x79: {  	_ =	shalt  }
0x7a: {  	_ =	shalt  }
0x7b: {  	_ =	shalt  }
0x7c: {  	_ =	shalt  }
0x7d: {  	_ =	shalt  }
0x7e: {  	_ =	shalt  }
0x7f: {  	_ =	shalt  }
0x80: {  	_ =	shalt  }
0x81: {  	_ =	shalt  }
0x82: {  	_ =	shalt  }
0x83: {  	_ =	shalt  }
0x84: {  	_ =	shalt  }
0x85: {  	_ =	shalt  }
0x86: {  	_ =	shalt  }
0x87: {  	_ =	shalt  }
.Lfunc_end0:
.L_simem_size_0:
called_computation_lowered:
.L_overlay_start_0:
0x88: {  	s2 =	sld [smem:$0x3FD9]  }
0x89: {  	s3 =	sld [smem:$0x3FFE];
	_ =	sdelay $0x1  }
0x8a: {  	s1 =	srdreg.scid  }
0x8b: {  	s0 =	sand.u32 $0x1, s1  }
0x8c: {  	s17 =	sshll.u32 s0, $0xA;
	s2 =	sadd.s32 s3, s2  }
0x8d: {  	s2 =	sadd.s32 s2, s17  }
0x8e: {  	[smem:$0x3FC4] =	sst s2  }
0x8f: {  	_ = 	snop  }
0x90: {  	s2 =	sld [smem:$0x3FC8]  }
0x91: {  	s18 =	sld [smem:$0x3FC7]  }
0x92: {  	s4 =	sld [smem:$0x3FC6]  }
0x93: {  	s5 =	sld [smem:$0x3FD0];
	(tm) =	ssettm $0x1  }
0x94: {  	s6 =	sld [smem:$0x3FFB];
	_ =	sdelay $0x3  }
0x95: {  	_ =	strace s6  }
0x96: {  	s6 =	sld [smem:$0x3FFC];
	_ =	sdelay $0x3  }
0x97: {  	_ =	strace s6  }
0x98: {  	s6 =	sld [smem:$0x3FFD];
	_ =	sdelay $0x3  }
0x99: {  	_ =	strace s6  }
0x9a: {  	_ =	strace $0x8FFFFFFF  }
0x9b: {  	s19 =	sld [smem:$0x3FDB];
	_ =	sdelay $0x1  }
0x9c: {  	s7 =	simm.s32 $_scs_section_size  }
0x9d: {  	s8 =	simm.s32 $_size__tile_overlayer_lowered;
	s9 =	simm.s32 $_tile_overlayer_lowered  }
0x9e: {  	s22 =	simm.s32 $0x1BFF;
	s21 =	sshll.u32 s9, $0x1;
	s6 =	sadd.s32 s7, s19  }
0x9f: {  	s10 =	simm.s32 $0x0;
	s20 =	sshll.u32 s8, $0x1;
	s8 =	sadd.s32 s21, s6  }
0xa0: {  	[timem:s10], [sflag:s22] =	dma.local [hbm:s8], s20  }
0xa1: {  	_ =	swait.ge [sflag:s22], s20  }
0xa2: {  	s7 =	ssub.s32 $0x0, s20;
	[sflag:s22] =	ssyncset.done $0x0  }
0xa3: {  	[sflag:s22] =	ssyncadd.s32 s7;
	_ =	sdelay $0x1  }
0xa4: {  	s23 =	simm.s32 $0x1B8B  }
0xa5: {  	_ =	swait.ge [sflag:s23], $0x1  }
0xa6: {  	[sflag:s23] =	ssyncset.done $0x0  }
0xa7: {  	s25 =	simm.s32 $0x1B8E;
	s24 =	sld [smem:$0x3FFE];
	[sflag:s23] =	ssyncadd.s32 $0xFFFFFFFF  }
0xa8: {  	s26 =	simm.s32 $execute0_lowered;
	[smem:$0x3FD2] =	sst s25  }
0xa9: {  	s8 =	sshll.u32 s26, $0x1;
	_ =	strace $0x80000046;
	[dreg:$0x1] =	wrdreg $0xFFFFFFFF  }
0xaa: {  	s28 =	simm.s32 $_size_execute0_lowered;
	s6 =	sadd.s32 s6, s8;
	[dreg:$0x0] =	wrdreg $0x0  }
0xab: {  	s8 =	sshll.u32 s28, $0x1;
	[dreg:$0x2] =	wrdreg s6  }
0xac: {  	[dreg:$0x3] =	wrdreg s8  }
0xad: {  	[dreg:$0x4] =	wrdreg $0xC0  }
0xae: {  	_ =	task [dreg:s10], $0x5FFFF  }
0xaf: {  	[dreg:$0x1] =	wrdreg $0xFFFFFFFF  }
0xb0: {  	[dreg:$0x0] =	wrdreg $0x60  }
0xb1: {  	[dreg:$0x2] =	wrdreg s24  }
0xb2: {  	[dreg:$0x3] =	wrdreg s2  }
0xb3: {  	[dreg:$0x4] =	wrdreg s18  }
0xb4: {  	[dreg:$0x5] =	wrdreg s4  }
0xb5: {  	[dreg:$0x6] =	wrdreg s5  }
0xb6: {  	[dreg:$0x7] =	wrdreg $0x9  }
0xb7: {  	_ =	task.clear_ibuf [dreg:s10], $0x8FFFF;
	_ =	strace $0x90000046  }
0xb8: {  	s29 =	simm.s32 $0x9;
	_ =	strace $0x80000048  }
0xb9: {  	_ =	swait.ge [sflag:s29], $0x1  }
0xba: {  	[sflag:s29] =	ssyncadd.s32 $0xFFFFFFFF  }
0xbb: {  	_ =	strace $0x90000048  }
0xbc: {  	_ =	sfence  }
0xbd: {  	s30 =	sld [smem:$0x0];
	_ =	sdelay $0x2  }
0xbe: {  	s31 =	sshll.u32 s1, $0xD;
	s1 =	sshrl.u32 s1, $0x2  }
0xbf: {  	s3 =	sand.u32 $0x4000, s31;
	s1 =	sadd.s32 s1, s30  }
0xc0: {  	s0 =	sor.u32 s3, s0;
	s1 =	sshll.u32 s1, $0x11  }
0xc1: {  	s0 =	sor.u32 s1, s0  }
0xc2: {  	s0 =	sadd.s32 $0x8F2B, s0  }
0xc3: {  	[sflag:s0] =	ssyncadd.remote.s32 $0x1  }
0xc4: {  	_ =	sfence.sel $0xFFFF  }
0xc5: {  	[dreg:$0x0] =	wrdreg $0xFFFFFFFF;
	(pc) =	sbr.abs _section_cstart, $3  }
0xc6: {  	[dreg:$0x1] =	wrdreg $0xFFFFFFFF  }
0xc7: {  	_ =	task.clear_ibuf [dreg:s10], $0x2FFFF;
	_ =	strace $0x9FFFFFFF  }
0xc8: {  	(tm) =	ssettm $0x7FFFFFFF  }
0xc9: {  	_ =	shalt  }
tec
execute0_lowered:
.L_overlay_start_1:
0x0: {  	(tag) =	ssettag $0x1  }
0x1: {  	s8 =	rddreg [dreg:$0x0]  }
0x2: {  	s1 =	rddreg [dreg:$0x1]  }
0x3: {  	s2 =	rddreg [dreg:$0x2]  }
0x4: {  	s3 =	rddreg [dreg:$0x3]  }
0x5: {  	s5 =	rddreg [dreg:$0x4]  }
0x6: {  	s0 =	rddreg [dreg:$0x5];
	s7 =	srdreg.scid  }
0x7: {  	s6 =	simm.s32 $0x0;
	s4 =	stileid.u32;
	s12 =	simm.s32 $0x3  }
0x8: {  	s13 =	simm.s32 $0x3D00;
	s14 =	simm.s32 $0x2800;
	s15 =	simm.s32 $0x1  }
0x9: {  	s16 =	simm.s32 $0x2;
	s17 =	simm.s32 $0x0;
	s7 =	sand.u32 $0x1, s7  }
0xa: {  	[smem:$0x7FF] =	sst s6;
	s10 =	sshll.u32 s4, $0x1;
	s9 =	ssub.s32 $0x2, s7  }
0xb: {  	s8 =	sadd.s32 $0x400, s8;
	s7 =	sor.u32 s10, s7;
	s11 =	sshrl.u32 s9, $0x1  }
0xc: {  	_ =	strace $0x80000047;
	s31 =	ssub.s32 $0x9C, s7;
	s30 =	ssub.s32 s9, s11  }
0xd: {  	s9 =	sshrl.u32 s31, $0x5;
	s11 =	simm.s32 $0x3C00;
	s10 =	smax.u32 s30, $0x1  }
.LBB2_1:
0xe: {  	[tilespmem:s11], [sflag:$0x3] =	stream.linear.gather [hbm4b:s2+s6], $0x100, $0x38;
	[tilespmem:$0x8E00] =	vst v63  }
0xf: {  	_ =	swait.ge [sflag:s12], $0x100  }
0x10: {  	[sflag:s12] =	ssyncset.done $0x0  }
0x11: {  	[sflag:s12] =	ssyncadd.s32 $0xFFFFFF00  }
0x12: {  	[tilespmem:s13], [sflag:$0x3] =	stream.linear.gather [hbm4b:s3+s6], $0x100, $0x38;
	[tilespmem:$0x8E00] =	vst v63  }
0x13: {  	_ =	swait.ge [sflag:s12], $0x100  }
0x14: {  	[sflag:s12] =	ssyncset.done $0x0  }
0x15: {  	[sflag:s12] =	ssyncadd.s32 $0xFFFFFF00  }
0x16: {  	v0 =	vld [tilespmem:$0x3C00]  }
0x17: {  	v1 =	vld [tilespmem:$0x3C10]  }
0x18: {  	v2 =	vld [tilespmem:$0x3C20]  }
0x19: {  	v3 =	vld [tilespmem:$0x3C30]  }
0x1a: {  	v4 =	vld [tilespmem:$0x3C40]  }
0x1b: {  	v5 =	vld [tilespmem:$0x3C50]  }
0x1c: {  	v6 =	vld [tilespmem:$0x3C60]  }
0x1d: {  	v7 =	vld [tilespmem:$0x3C70]  }
0x1e: {  	v8 =	vld [tilespmem:$0x3C80]  }
0x1f: {  	v9 =	vld [tilespmem:$0x3C90]  }
0x20: {  	v10 =	vld [tilespmem:$0x3CA0]  }
0x21: {  	v11 =	vld [tilespmem:$0x3CB0]  }
0x22: {  	v12 =	vld [tilespmem:$0x3CC0]  }
0x23: {  	v13 =	vld [tilespmem:$0x3CD0]  }
0x24: {  	v14 =	vld [tilespmem:$0x3CE0]  }
0x25: {  	v15 =	vld [tilespmem:$0x3CF0]  }
0x26: {  	v16 =	vld [tilespmem:$0x3D00]  }
0x27: {  	v17 =	vld [tilespmem:$0x3D10]  }
0x28: {  	v18 =	vld [tilespmem:$0x3D20]  }
0x29: {  	v19 =	vld [tilespmem:$0x3D30]  }
0x2a: {  	v20 =	vld [tilespmem:$0x3D40]  }
0x2b: {  	v21 =	vld [tilespmem:$0x3D50]  }
0x2c: {  	v22 =	vld [tilespmem:$0x3D60]  }
0x2d: {  	v23 =	vld [tilespmem:$0x3D70]  }
0x2e: {  	v24 =	vld [tilespmem:$0x3D80]  }
0x2f: {  	v25 =	vld [tilespmem:$0x3D90]  }
0x30: {  	v26 =	vld [tilespmem:$0x3DA0]  }
0x31: {  	v27 =	vld [tilespmem:$0x3DB0]  }
0x32: {  	v28 =	vld [tilespmem:$0x3DC0]  }
0x33: {  	v29 =	vld [tilespmem:$0x3DD0]  }
0x34: {  	v30 =	vld [tilespmem:$0x3DE0]  }
0x35: {  	s18 =	simm.s32 $0x0;
	v31 =	vld [tilespmem:$0x3DF0]  }
.LBB2_2:
0x36: {  	s19 =	sshll.u32 s18, $0x5  }
0x37: {  	s21 =	sor.u32 s7, s19  }
0x38: {  	s19 =	smul.u32 $0x2800, s21;
	_ =	sdelay $0x1  }
0x39: {  	s20 =	sshrl.u32 s19, $0x3  }
0x3a: {  	s21 =	smul.u32 $0x1400, s21;
	s22 =	sadd.s32 s1, s20;
	s20 =	simm.s32 $0x0  }
0x3b: {  	[tilespmem:s20], [sflag:$0x3] =	stream.linear.gather [hbm4b:s22+s20], $0x2800, $0x38;
	[tilespmem:$0x8E00] =	vst v63  }
0x3c: {  	_ =	swait.ge [sflag:s12], $0x2800  }
0x3d: {  	s21 =	sshrl.u32 s21, $0x3;
	[sflag:s12] =	ssyncset.done $0x0  }
0x3e: {  	s21 =	sadd.s32 s8, s21;
	[sflag:s12] =	ssyncadd.s32 $0xFFFFD800  }
0x3f: {  	[tilespmem:s14], [sflag:$0x3] =	stream.linear.gather [hbm4b:s21+s20], $0x1400, $0x38;
	[tilespmem:$0x8E00] =	vst v63  }
0x40: {  	_ =	swait.ge [sflag:s12], $0x1400  }
0x41: {  	s30 =	sand.u32 $0x3800, s20;
	s31 =	sand.u32 $0x380, s20;
	[sflag:s12] =	ssyncset.done $0x0  }
0x42: {  	s21 =	sor.u32 s31, s30;
	[sflag:s12] =	ssyncadd.s32 $0xFFFFEC00  }
0x43: {  	v32 =	vld [tilespmem:s21+$0x0]  }
0x44: {  	v33 =	vld [tilespmem:s21+$0x10]  }
0x45: {  	v34 =	vld [tilespmem:s21+$0x20]  }
0x46: {  	v35 =	vld [tilespmem:s21+$0x30]  }
0x47: {  	v36 =	vld [tilespmem:s21+$0x40]  }
0x48: {  	v37 =	vld [tilespmem:s21+$0x50];
	v32 =	vadd.f32 v32, v16  }
0x49: {  	v38 =	vld [tilespmem:s21+$0x60];
	v33 =	vadd.f32 v33, v17  }
0x4a: {  	v39 =	vld [tilespmem:s21+$0x70];
	v59 =	vadd.f32 v34, v18;
	[tilespmem:s21+$0x0] =	vst v32  }
0x4b: {  	v40 =	vld [tilespmem:s21+$0x400];
	v60 =	vadd.f32 v35, v19;
	[tilespmem:s21+$0x10] =	vst v33  }
0x4c: {  	v61 =	vadd.f32 v36, v20;
	v35 =	vld [tilespmem:s21+$0x410];
	[tilespmem:s21+$0x20] =	vst v59  }
0x4d: {  	v62 =	vadd.f32 v37, v21;
	v34 =	vld [tilespmem:s21+$0x420];
	[tilespmem:s21+$0x30] =	vst v60  }
0x4e: {  	v63 =	vadd.f32 v38, v22;
	[tilespmem:s21+$0x40] =	vst v61;
	v32 =	vld [tilespmem:s21+$0x430]  }
0x4f: {  	v38 =	vadd.f32 v39, v23;
	[tilespmem:s21+$0x50] =	vst v62;
	v33 =	vld [tilespmem:s21+$0x440]  }
0x50: {  	s23 =	simm.s32 $0x100;
	s22 =	simm.s32 $0x80;
	v37 =	vadd.f32 v40, v24;
	v36 =	vld [tilespmem:s21+$0x450];
	[tilespmem:s21+$0x60] =	vst v63  }
.LBB2_3:
0x51: {  	s24 =	sand.u32 $0x3800, s23;
	s25 =	sand.u32 $0x380, s22;
	p0 =	sne.s32 s23, $0x2700;
	[tilespmem:s21+$0x70] =	vst v38;
	v35 =	vadd.f32 v35, v25;
	v38 =	vld [tilespmem:s21+$0x460]  }
0x52: {  	s24 =	sor.u32 s25, s24;
	[tilespmem:s21+$0x400] =	vst v37;
	v34 =	vadd.f32 v34, v26;
	v37 =	vld [tilespmem:s21+$0x470]  }
0x53: {  	v39 =	vld [tilespmem:s24+$0x0];
	[tilespmem:s21+$0x410] =	vst v35;
	v32 =	vadd.f32 v32, v27  }
0x54: {  	v35 =	vld [tilespmem:s24+$0x10];
	[tilespmem:s21+$0x420] =	vst v34;
	v33 =	vadd.f32 v33, v28  }
0x55: {  	v34 =	vld [tilespmem:s24+$0x20];
	[tilespmem:s21+$0x430] =	vst v32;
	v32 =	vadd.f32 v36, v29  }
0x56: {  	v36 =	vld [tilespmem:s24+$0x30];
	[tilespmem:s21+$0x440] =	vst v33;
	v33 =	vadd.f32 v38, v30  }
0x57: {  	v38 =	vld [tilespmem:s24+$0x40];
	[tilespmem:s21+$0x450] =	vst v32;
	v32 =	vadd.f32 v37, v31  }
0x58: {  	v37 =	vadd.f32 v39, v16;
	v39 =	vld [tilespmem:s24+$0x50];
	[tilespmem:s21+$0x460] =	vst v33  }
0x59: {  	v33 =	vadd.f32 v35, v17;
	v40 =	vld [tilespmem:s24+$0x60];
	[tilespmem:s21+$0x470] =	vst v32;
	s21 =	smov.u32 s24  }
0x5a: {  	[tilespmem:s21+$0x0] =	vst v37;
	v32 =	vadd.f32 v34, v18;
	v37 =	vld [tilespmem:s21+$0x70]  }
0x5b: {  	[tilespmem:s21+$0x10] =	vst v33;
	v33 =	vadd.f32 v36, v19;
	v36 =	vld [tilespmem:s21+$0x400]  }
.Ltmp0:
0x5c: {  	[tilespmem:s21+$0x20] =	vst v32;
	v32 =	vadd.f32 v38, v20;
	v35 =	vld [tilespmem:s21+$0x410];
	(pc) =	sbr.rel @p0 .LBB2_3-.Ltmp0, $4  }
0x5d: {  	[tilespmem:s21+$0x30] =	vst v33;
	v33 =	vadd.f32 v39, v21;
	v34 =	vld [tilespmem:s21+$0x420]  }
0x5e: {  	[tilespmem:s21+$0x40] =	vst v32;
	v39 =	vadd.f32 v40, v22;
	v32 =	vld [tilespmem:s21+$0x430]  }
0x5f: {  	[tilespmem:s21+$0x50] =	vst v33;
	v38 =	vadd.f32 v37, v23;
	v33 =	vld [tilespmem:s21+$0x440]  }
0x60: {  	s22 =	sadd.s32 $0x80, s22;
	s23 =	sadd.s32 $0x100, s23;
	[tilespmem:s21+$0x60] =	vst v39;
	v37 =	vadd.f32 v36, v24;
	v36 =	vld [tilespmem:s21+$0x450]  }
0x61: {  	[tilespmem:s21+$0x70] =	vst v38;
	v35 =	vadd.f32 v35, v25;
	v59 =	vld [tilespmem:s21+$0x460]  }
0x62: {  	v60 =	vld [tilespmem:s21+$0x470];
	[tilespmem:s21+$0x400] =	vst v37;
	v34 =	vadd.f32 v34, v26  }
0x63: {  	[tilespmem:s21+$0x410] =	vst v35;
	v32 =	vadd.f32 v32, v27  }
0x64: {  	[tilespmem:s21+$0x420] =	vst v34;
	v33 =	vadd.f32 v33, v28  }
0x65: {  	[tilespmem:s21+$0x430] =	vst v32;
	v61 =	vadd.f32 v36, v29  }
0x66: {  	[tilespmem:s21+$0x440] =	vst v33;
	v62 =	vadd.f32 v59, v30  }
0x67: {  	v63 =	vadd.f32 v60, v31;
	[tilespmem:s21+$0x450] =	vst v61  }
0x68: {  	[tilespmem:s21+$0x460] =	vst v62  }
0x69: {  	[tilespmem:s21+$0x470] =	vst v63  }
.LBB2_5:
0x6a: {  	s21 =	sand.u32 $0x1, s20;
	p0 =	slt.u32 s20, $0x2  }
0x6b: {  	s22 =	sadd.s32 @!p0 $0x1, s21  }
0x6c: {  	_ =	swait.ge @!p0 [sflag:s22], $0x2800  }
0x6d: {  	[sflag:s22] =	ssyncset.done @!p0 $0x0  }
0x6e: {  	[sflag:s22] =	ssyncadd.s32 @!p0 $0xFFFFD800;
	s22 =	simm.s32 $0x2810  }
0x6f: {  	v33 =	vld [tilespmem:s22+$0xFFFFFFF0]  }
0x70: {  	v34 =	vld [tilespmem:s22+$0x0]  }
0x71: {  	v32 =	vmov s20  }
0x72: {  	s23 =	simm.s32 $0x0;
	v32 =	vand.u32 $0xF, v32  }
0x73: {  	s24 =	smul.u32 $0xA000, s21;
	s25 =	sand.u32 $0x3800, s23;
	s26 =	sand.u32 $0x380, s23;
	v32 =	vbroadcast v32, $0x0  }
0x74: {  	s25 =	sor.u32 s26, s25  }
0x75: {  	s24 =	sshrl.u32 s24, $0x2;
	v36 =	vld [tilespmem:s25+$0x0];
	v35 =	vperm.xlane v33, v32;
	v34 =	vperm.xlane v34, v32  }
0x76: {  	s24 =	sadd.s32 $0x3E00, s24;
	p0 =	slt.u32 s20, $0x10  }
0x77: {  	v33 =	vmov s24;
	v34 =	vpsel p0, v35, v34  }
0x78: {  	v35 =	vmul.f32 v34, v0;
	_ =	sdelay $0x1  }
0x79: {  	v35 =	vadd.f32 v35, v36;
	_ =	sdelay $0x1  }
0x7a: {  	[tilespmem:v33+s25+$0x0 ss:$0x1] =	vst.idx.msk $0xffff, v35  }
0x7b: {  	v35 =	vld [tilespmem:s25+$0x10];
	_ =	sdelay $0x2  }
0x7c: {  	v50 =	vmul.f32 v34, v1;
	_ =	sdelay $0x1  }
0x7d: {  	v35 =	vadd.f32 v35, v50;
	_ =	sdelay $0x1  }
0x7e: {  	[tilespmem:v33+s25+$0x10 ss:$0x1] =	vst.idx.msk $0xffff, v35  }
0x7f: {  	v35 =	vld [tilespmem:s25+$0x20];
	_ =	sdelay $0x2  }
0x80: {  	v51 =	vmul.f32 v34, v2;
	_ =	sdelay $0x1  }
0x81: {  	v35 =	vadd.f32 v35, v51;
	_ =	sdelay $0x1  }
0x82: {  	[tilespmem:v33+s25+$0x20 ss:$0x1] =	vst.idx.msk $0xffff, v35  }
0x83: {  	v35 =	vld [tilespmem:s25+$0x30];
	_ =	sdelay $0x2  }
0x84: {  	v52 =	vmul.f32 v34, v3;
	_ =	sdelay $0x1  }
0x85: {  	v35 =	vadd.f32 v35, v52;
	_ =	sdelay $0x1  }
0x86: {  	[tilespmem:v33+s25+$0x30 ss:$0x1] =	vst.idx.msk $0xffff, v35  }
0x87: {  	v35 =	vld [tilespmem:s25+$0x40];
	_ =	sdelay $0x2  }
0x88: {  	v53 =	vmul.f32 v34, v4;
	_ =	sdelay $0x1  }
0x89: {  	v35 =	vadd.f32 v35, v53;
	_ =	sdelay $0x1  }
0x8a: {  	[tilespmem:v33+s25+$0x40 ss:$0x1] =	vst.idx.msk $0xffff, v35  }
0x8b: {  	v35 =	vld [tilespmem:s25+$0x50];
	_ =	sdelay $0x2  }
0x8c: {  	v54 =	vmul.f32 v34, v5;
	_ =	sdelay $0x1  }
0x8d: {  	v35 =	vadd.f32 v35, v54;
	_ =	sdelay $0x1  }
0x8e: {  	[tilespmem:v33+s25+$0x50 ss:$0x1] =	vst.idx.msk $0xffff, v35  }
0x8f: {  	v35 =	vld [tilespmem:s25+$0x60];
	_ =	sdelay $0x2  }
0x90: {  	v55 =	vmul.f32 v34, v6;
	_ =	sdelay $0x1  }
0x91: {  	v35 =	vadd.f32 v35, v55;
	_ =	sdelay $0x1  }
0x92: {  	[tilespmem:v33+s25+$0x60 ss:$0x1] =	vst.idx.msk $0xffff, v35  }
0x93: {  	v35 =	vld [tilespmem:s25+$0x70];
	_ =	sdelay $0x2  }
0x94: {  	v56 =	vmul.f32 v34, v7;
	_ =	sdelay $0x1  }
0x95: {  	v35 =	vadd.f32 v35, v56;
	_ =	sdelay $0x1  }
0x96: {  	[tilespmem:v33+s25+$0x70 ss:$0x1] =	vst.idx.msk $0xffff, v35  }
0x97: {  	v35 =	vld [tilespmem:s25+$0x400];
	_ =	sdelay $0x2  }
0x98: {  	v57 =	vmul.f32 v34, v8;
	_ =	sdelay $0x1  }
0x99: {  	v35 =	vadd.f32 v35, v57;
	_ =	sdelay $0x1  }
0x9a: {  	[tilespmem:v33+s25+$0x400 ss:$0x1] =	vst.idx.msk $0xffff, v35  }
0x9b: {  	v35 =	vld [tilespmem:s25+$0x410];
	_ =	sdelay $0x2  }
0x9c: {  	v58 =	vmul.f32 v34, v9;
	_ =	sdelay $0x1  }
0x9d: {  	v35 =	vadd.f32 v35, v58;
	_ =	sdelay $0x1  }
0x9e: {  	[tilespmem:v33+s25+$0x410 ss:$0x1] =	vst.idx.msk $0xffff, v35  }
0x9f: {  	v35 =	vld [tilespmem:s25+$0x420];
	_ =	sdelay $0x2  }
0xa0: {  	v59 =	vmul.f32 v34, v10;
	_ =	sdelay $0x1  }
0xa1: {  	v35 =	vadd.f32 v35, v59;
	_ =	sdelay $0x1  }
0xa2: {  	[tilespmem:v33+s25+$0x420 ss:$0x1] =	vst.idx.msk $0xffff, v35  }
0xa3: {  	v35 =	vld [tilespmem:s25+$0x430];
	_ =	sdelay $0x2  }
0xa4: {  	v60 =	vmul.f32 v34, v11;
	_ =	sdelay $0x1  }
0xa5: {  	v35 =	vadd.f32 v35, v60;
	_ =	sdelay $0x1  }
0xa6: {  	[tilespmem:v33+s25+$0x430 ss:$0x1] =	vst.idx.msk $0xffff, v35  }
0xa7: {  	v35 =	vld [tilespmem:s25+$0x440];
	_ =	sdelay $0x2  }
0xa8: {  	v61 =	vmul.f32 v34, v12;
	_ =	sdelay $0x1  }
0xa9: {  	v35 =	vadd.f32 v35, v61;
	_ =	sdelay $0x1  }
0xaa: {  	[tilespmem:v33+s25+$0x440 ss:$0x1] =	vst.idx.msk $0xffff, v35  }
0xab: {  	v35 =	vld [tilespmem:s25+$0x450];
	_ =	sdelay $0x2  }
0xac: {  	v62 =	vmul.f32 v34, v13;
	_ =	sdelay $0x1  }
0xad: {  	v35 =	vadd.f32 v35, v62;
	_ =	sdelay $0x1  }
0xae: {  	[tilespmem:v33+s25+$0x450 ss:$0x1] =	vst.idx.msk $0xffff, v35  }
0xaf: {  	v35 =	vld [tilespmem:s25+$0x460];
	_ =	sdelay $0x2  }
0xb0: {  	v63 =	vmul.f32 v34, v14;
	_ =	sdelay $0x1  }
0xb1: {  	v35 =	vadd.f32 v35, v63;
	_ =	sdelay $0x1  }
0xb2: {  	[tilespmem:v33+s25+$0x460 ss:$0x1] =	vst.idx.msk $0xffff, v35  }
0xb3: {  	v35 =	vld [tilespmem:s25+$0x470];
	_ =	sdelay $0x2  }
0xb4: {  	v34 =	vmul.f32 v34, v15;
	_ =	sdelay $0x1  }
0xb5: {  	s26 =	simm.s32 $0x80;
	v34 =	vadd.f32 v35, v34  }
.LBB2_6:
0xb6: {  	_ = 	snop  }
0xb7: {  	p1 =	sne.s32 s26, $0x1380;
	s23 =	sadd.s32 $0x100, s23;
	s22 =	sadd.s32 $0x80, s22;
	[tilespmem:v33+s25+$0x470 ss:$0x1] =	vst.idx.msk $0xffff, v34  }
0xb8: {  	s25 =	smov.u32 s26;
	s26 =	sadd.s32 $0x80, s26;
	v34 =	vld [tilespmem:s22+$0xFFFFFFF0]  }
0xb9: {  	v35 =	vld [tilespmem:s22+$0x0];
	_ =	sdelay $0x2  }
0xba: {  	s28 =	sand.u32 $0x3800, s23;
	s25 =	sand.u32 $0x380, s25  }
0xbb: {  	s25 =	sor.u32 s25, s28  }
0xbc: {  	v34 =	vperm.xlane v34, v32;
	v35 =	vperm.xlane v35, v32;
	v36 =	vld [tilespmem:s25+$0x0];
	_ =	sdelay $0x1  }
0xbd: {  	v34 =	vpsel p0, v34, v35  }
0xbe: {  	v35 =	vmul.f32 v34, v0;
	_ =	sdelay $0x1  }
0xbf: {  	v35 =	vadd.f32 v35, v36;
	_ =	sdelay $0x1  }
0xc0: {  	[tilespmem:v33+s25+$0x0 ss:$0x1] =	vst.idx.msk $0xffff, v35  }
0xc1: {  	v35 =	vld [tilespmem:s25+$0x10];
	_ =	sdelay $0x2  }
0xc2: {  	v36 =	vmul.f32 v34, v1;
	_ =	sdelay $0x1  }
0xc3: {  	v35 =	vadd.f32 v35, v36;
	_ =	sdelay $0x1  }
0xc4: {  	[tilespmem:v33+s25+$0x10 ss:$0x1] =	vst.idx.msk $0xffff, v35  }
0xc5: {  	v35 =	vld [tilespmem:s25+$0x20];
	_ =	sdelay $0x2  }
0xc6: {  	v36 =	vmul.f32 v34, v2;
	_ =	sdelay $0x1  }
0xc7: {  	v35 =	vadd.f32 v35, v36;
	_ =	sdelay $0x1  }
0xc8: {  	[tilespmem:v33+s25+$0x20 ss:$0x1] =	vst.idx.msk $0xffff, v35  }
0xc9: {  	v35 =	vld [tilespmem:s25+$0x30];
	_ =	sdelay $0x2  }
0xca: {  	v36 =	vmul.f32 v34, v3;
	_ =	sdelay $0x1  }
0xcb: {  	v35 =	vadd.f32 v35, v36;
	_ =	sdelay $0x1  }
0xcc: {  	[tilespmem:v33+s25+$0x30 ss:$0x1] =	vst.idx.msk $0xffff, v35  }
0xcd: {  	v35 =	vld [tilespmem:s25+$0x40];
	_ =	sdelay $0x2  }
0xce: {  	v36 =	vmul.f32 v34, v4;
	_ =	sdelay $0x1  }
0xcf: {  	v35 =	vadd.f32 v35, v36;
	_ =	sdelay $0x1  }
0xd0: {  	[tilespmem:v33+s25+$0x40 ss:$0x1] =	vst.idx.msk $0xffff, v35  }
0xd1: {  	v35 =	vld [tilespmem:s25+$0x50];
	_ =	sdelay $0x2  }
0xd2: {  	v36 =	vmul.f32 v34, v5;
	_ =	sdelay $0x1  }
0xd3: {  	v35 =	vadd.f32 v35, v36;
	_ =	sdelay $0x1  }
0xd4: {  	[tilespmem:v33+s25+$0x50 ss:$0x1] =	vst.idx.msk $0xffff, v35  }
0xd5: {  	v35 =	vld [tilespmem:s25+$0x60];
	_ =	sdelay $0x2  }
0xd6: {  	v36 =	vmul.f32 v34, v6;
	_ =	sdelay $0x1  }
0xd7: {  	v35 =	vadd.f32 v35, v36;
	_ =	sdelay $0x1  }
0xd8: {  	[tilespmem:v33+s25+$0x60 ss:$0x1] =	vst.idx.msk $0xffff, v35  }
0xd9: {  	v35 =	vld [tilespmem:s25+$0x70];
	_ =	sdelay $0x2  }
0xda: {  	v36 =	vmul.f32 v34, v7;
	_ =	sdelay $0x1  }
0xdb: {  	v35 =	vadd.f32 v35, v36;
	_ =	sdelay $0x1  }
0xdc: {  	[tilespmem:v33+s25+$0x70 ss:$0x1] =	vst.idx.msk $0xffff, v35  }
0xdd: {  	v35 =	vld [tilespmem:s25+$0x400];
	_ =	sdelay $0x2  }
0xde: {  	v36 =	vmul.f32 v34, v8;
	_ =	sdelay $0x1  }
0xdf: {  	v35 =	vadd.f32 v35, v36;
	_ =	sdelay $0x1  }
0xe0: {  	[tilespmem:v33+s25+$0x400 ss:$0x1] =	vst.idx.msk $0xffff, v35  }
0xe1: {  	v35 =	vld [tilespmem:s25+$0x410];
	_ =	sdelay $0x2  }
0xe2: {  	v36 =	vmul.f32 v34, v9;
	_ =	sdelay $0x1  }
0xe3: {  	v35 =	vadd.f32 v35, v36;
	_ =	sdelay $0x1  }
0xe4: {  	[tilespmem:v33+s25+$0x410 ss:$0x1] =	vst.idx.msk $0xffff, v35  }
0xe5: {  	v35 =	vld [tilespmem:s25+$0x420];
	_ =	sdelay $0x2  }
0xe6: {  	v36 =	vmul.f32 v34, v10;
	_ =	sdelay $0x1  }
0xe7: {  	v35 =	vadd.f32 v35, v36;
	_ =	sdelay $0x1  }
0xe8: {  	[tilespmem:v33+s25+$0x420 ss:$0x1] =	vst.idx.msk $0xffff, v35  }
0xe9: {  	v35 =	vld [tilespmem:s25+$0x430];
	_ =	sdelay $0x2  }
0xea: {  	v36 =	vmul.f32 v34, v11;
	_ =	sdelay $0x1  }
0xeb: {  	v35 =	vadd.f32 v35, v36;
	_ =	sdelay $0x1  }
0xec: {  	[tilespmem:v33+s25+$0x430 ss:$0x1] =	vst.idx.msk $0xffff, v35  }
0xed: {  	v35 =	vld [tilespmem:s25+$0x440];
	_ =	sdelay $0x2  }
0xee: {  	v36 =	vmul.f32 v34, v12;
	_ =	sdelay $0x1  }
0xef: {  	v35 =	vadd.f32 v35, v36;
	_ =	sdelay $0x1  }
0xf0: {  	[tilespmem:v33+s25+$0x440 ss:$0x1] =	vst.idx.msk $0xffff, v35  }
0xf1: {  	v35 =	vld [tilespmem:s25+$0x450];
	_ =	sdelay $0x2  }
0xf2: {  	v36 =	vmul.f32 v34, v13;
	_ =	sdelay $0x1  }
0xf3: {  	v35 =	vadd.f32 v35, v36;
	_ =	sdelay $0x1  }
0xf4: {  	[tilespmem:v33+s25+$0x450 ss:$0x1] =	vst.idx.msk $0xffff, v35  }
0xf5: {  	v35 =	vld [tilespmem:s25+$0x460];
	_ =	sdelay $0x2  }
0xf6: {  	v36 =	vmul.f32 v34, v14;
	_ =	sdelay $0x1  }
0xf7: {  	v35 =	vadd.f32 v35, v36;
	_ =	sdelay $0x1  }
0xf8: {  	[tilespmem:v33+s25+$0x460 ss:$0x1] =	vst.idx.msk $0xffff, v35  }
0xf9: {  	v35 =	vld [tilespmem:s25+$0x470]  }
.Ltmp1:
0xfa: {  	(pc) =	sbr.rel @p1 .LBB2_6-.Ltmp1, $3  }
0xfb: {  	_ = 	snop  }
0xfc: {  	v34 =	vmul.f32 v34, v15;
	_ =	sdelay $0x1  }
0xfd: {  	v34 =	vadd.f32 v35, v34  }
0xfe: {  	s22 =	smul.u32 $0x138800, s20;
	s20 =	sadd.s32 $0x1, s20  }
0xff: {  	p0 =	sne.s32 s20, $0x20  }
.Ltmp2:
0x100: {  	_ = 	snop;
	(pc) =	sbr.rel @p0 .LBB2_5-.Ltmp2, $4  }
0x101: {  	s22 =	sadd.s32 s19, s22  }
0x102: {  	s22 =	sshrl.u32 s22, $0x3  }
0x103: {  	s21 =	sadd.s32 $0x1, s21;
	[tilespmem:v33+s25+$0x470 ss:$0x1] =	vst.idx.msk $0xffff, v34;
	s22 =	sadd.s32 s5, s22  }
0x104: {  	[hbm4b:s22+s6] =	stream.linear.scatter [tilespmem:s24], [sflag:s21], $0x2800, $0x38;
	[tilespmem:$0x8E00] =	vst v63  }
0x105: {  	s18 =	sadd.s32 $0x1, s18  }
0x106: {  	_ =	swait.ge [sflag:s15], $0x2800;
	p0 =	sne.s32 s18, s9  }
.Ltmp3:
0x107: {  	[sflag:s15] =	ssyncset.done $0x0;
	(pc) =	sbr.rel @p0 .LBB2_2-.Ltmp3, $4  }
0x108: {  	[sflag:s15] =	ssyncadd.s32 $0xFFFFD800  }
0x109: {  	_ =	swait.ge [sflag:s16], $0x2800  }
0x10a: {  	[sflag:s16] =	ssyncset.done $0x0  }
0x10b: {  	[sflag:s16] =	ssyncadd.s32 $0xFFFFD800  }
0x10c: {  	s17 =	sadd.s32 $0x1, s17  }
0x10d: {  	p0 =	sne.s32 s17, s10  }
.Ltmp4:
0x10e: {  	_ = 	snop;
	(pc) =	sbr.rel @p0 .LBB2_1-.Ltmp4, $1  }
0x10f: {  	_ =	sdelay $0x3  }
0x110: {  	_ =	sfence.sel $0x180000  }
0x111: {  	[bflag:$0x0] =	sbarrier.arrive $0xFFFF  }
0x112: {  	p0 =	sne.s32 s4, $0x0;
	_ =	strace $0x90000047  }
0x113: {  	s0 =	sadd.s32 @!p0 $0x100000, s0;
	[bflag:$0x2] =	sbarrier.arrive $0xFFFF  }
0x114: {  	[sflag:s0] =	ssyncadd.tile.s32 @!p0 $0x1;
	_ =	shalt  }
.Lfunc_end2:
_tile_overlayer_lowered:
.L_overlay_start_2:
0x115: {  	(tag) =	ssettag $0x2  }
0x116: {  	s0 =	rddreg [dreg:$0x0];
	s2 =	stileid.u32  }
0x117: {  	s1 =	rddreg [dreg:$0x1];
	p0 =	sne.s32 s2, $0x0  }
0x118: {  	s3 =	rddreg [dreg:$0x2];
	[bflag:$0x3] =	sbarrier.arrive $0xFFFF;
	s2 =	simm.s32 @!p0 $0x1C03  }
0x119: {  	[timem:s3], [sflag:s2] =	dma.local @!p0 [hbm:s0], s1  }
0x11a: {  	s0 =	simm.s32 @!p0 $0x3  }
0x11b: {  	_ =	swait.ge @!p0 [sflag:s0], s1  }
0x11c: {  	s1 =	ssub.s32 @!p0 $0x0, s1;
	[sflag:s0] =	ssyncset.done @!p0 $0x0  }
0x11d: {  	[sflag:s0] =	ssyncadd.s32 @!p0 s1  }
0x11e: {  	[bflag:$0x3] =	sbarrier.arrive $0xFFFF  }
0x11f: {  	_ =	shalt  }

</sc_bundles>
